<compile_context>
chip_gen: v7x
topology: tpu7x:2x2x1
jax: 0.10.2.dev20260603
libtpu: 0.0.44.dev20260713+nightly
codegen_flags: <defaults>
</compile_context>

<pallas_src>
import functools

import jax
import jax.numpy as jnp
from jax import lax
from jax.experimental import pallas as pl
from jax.experimental.pallas import tpu as pltpu
from jax.experimental.pallas import tpu_sc as plsc

N = 320000
D = 128
S = 4096

NC = 2
NS = 16
NW = NC * NS

ROWS_PER_W = N // NW
SUB = 128
NSR = N // SUB
NSUB = 3
CHUNK = NSUB * SUB
SEG_PER_TILE = S // NS
BASE_SR = NSR // NW
EXTRA = NSR - BASE_SR * NW

_MESH = plsc.VectorSubcoreMesh(core_axis_name="c", subcore_axis_name="s")


def _sc_segment_sum(x, batch):

    @functools.partial(
        pl.kernel,
        out_type=jax.ShapeDtypeStruct((NC, S, D), jnp.float32),
        mesh=_MESH,
        scratch_types=[
            pltpu.VMEM((CHUNK, D), jnp.float32),
            pltpu.VMEM((16, SUB), jnp.int32),
            pltpu.VMEM_SHARED((S, D), jnp.float32),
        ],
    )
    def k(x_hbm, i_hbm, sums_hbm, xbuf, idxbuf, acc):
        cid = lax.axis_index("c")
        sid = lax.axis_index("s")
        wid = cid * NS + sid

        def zrow(i, _):
            for j in range(D // 16):
                xbuf[i, pl.ds(j * 16, 16)] = jnp.zeros((16,), jnp.float32)
            return 0

        lax.fori_loop(0, SEG_PER_TILE, zrow, 0)
        seg0 = sid * SEG_PER_TILE
        pltpu.sync_copy(xbuf.at[pl.ds(0, SEG_PER_TILE)],
                        acc.at[pl.ds(seg0, SEG_PER_TILE)])
        plsc.subcore_barrier()

        nsr = BASE_SR + jnp.where(wid < EXTRA, 1, 0)
        sub0 = BASE_SR * wid + jnp.minimum(wid, EXTRA)

        def chunk_body(kk, _):
            r0 = sub0 + kk * NSUB
            pltpu.sync_copy(x_hbm.at[pl.ds(r0 * SUB, CHUNK)], xbuf)
            a0 = (r0 // 8) * 8
            off = r0 - a0
            pltpu.sync_copy(i_hbm.at[pl.ds(a0, 16)], idxbuf)
            for j in range(NSUB):
                pltpu.sync_copy(xbuf.at[pl.ds(j * SUB, SUB)],
                                acc.at[idxbuf.at[off + j]], add=True)
            return 0

        lax.fori_loop(0, nsr // NSUB, chunk_body, 0)

        def tail_body(tt, _):
            r0 = sub0 + (nsr // NSUB) * NSUB + tt
            pltpu.sync_copy(x_hbm.at[pl.ds(r0 * SUB, SUB)],
                            xbuf.at[pl.ds(0, SUB)])
            a0 = (r0 // 8) * 8
            off = r0 - a0
            pltpu.sync_copy(i_hbm.at[pl.ds(a0, 16)], idxbuf)
            pltpu.sync_copy(xbuf.at[pl.ds(0, SUB)],
                            acc.at[idxbuf.at[off]], add=True)
            return 0

        lax.fori_loop(0, nsr % NSUB, tail_body, 0)

        plsc.subcore_barrier()
        pltpu.sync_copy(acc.at[pl.ds(seg0, SEG_PER_TILE)],
                        sums_hbm.at[cid, pl.ds(seg0, SEG_PER_TILE)])

    return k(x, batch)


def _sc_segment_count(batch):

    @functools.partial(
        pl.kernel,
        out_type=jax.ShapeDtypeStruct((NC * S,), jnp.float32),
        mesh=_MESH,
        scratch_types=[
            pltpu.VMEM((16, SUB), jnp.int32),
            pltpu.VMEM((SUB, D), jnp.float32),
            pltpu.VMEM((SEG_PER_TILE, D), jnp.float32),
            pltpu.VMEM((SEG_PER_TILE,), jnp.float32),
            pltpu.VMEM_SHARED((S, D), jnp.float32),
        ],
    )
    def k(i_hbm, cnts_hbm, idxbuf, ones, zc, c1d, cacc):
        cid = lax.axis_index("c")
        sid = lax.axis_index("s")
        wid = cid * NS + sid

        def zrow(i, _):
            for j in range(D // 16):
                zc[i, pl.ds(j * 16, 16)] = jnp.zeros((16,), jnp.float32)
            return 0

        lax.fori_loop(0, SEG_PER_TILE, zrow, 0)

        def orow(i, _):
            for j in range(D // 16):
                ones[i, pl.ds(j * 16, 16)] = jnp.ones((16,), jnp.float32)
            return 0

        lax.fori_loop(0, SUB, orow, 0)

        seg0 = sid * SEG_PER_TILE
        pltpu.sync_copy(zc, cacc.at[pl.ds(seg0, SEG_PER_TILE)])
        plsc.subcore_barrier()

        nsr = BASE_SR + jnp.where(wid < EXTRA, 1, 0)
        sub0 = BASE_SR * wid + jnp.minimum(wid, EXTRA)

        def chunk_body(kk, _):
            r0 = sub0 + kk * NSUB
            a0 = (r0 // 8) * 8
            off = r0 - a0
            pltpu.sync_copy(i_hbm.at[pl.ds(a0, 16)], idxbuf)
            for j in range(NSUB):
                pltpu.sync_copy(ones, cacc.at[idxbuf.at[off + j]], add=True)
            return 0

        lax.fori_loop(0, nsr // NSUB, chunk_body, 0)

        def tail_body(tt, _):
            r0 = sub0 + (nsr // NSUB) * NSUB + tt
            a0 = (r0 // 8) * 8
            off = r0 - a0
            pltpu.sync_copy(i_hbm.at[pl.ds(a0, 16)], idxbuf)
            pltpu.sync_copy(ones, cacc.at[idxbuf.at[off]], add=True)
            return 0

        lax.fori_loop(0, nsr % NSUB, tail_body, 0)

        plsc.subcore_barrier()
        pltpu.sync_copy(cacc.at[pl.ds(seg0, SEG_PER_TILE)], zc)
        lane = lax.iota(jnp.int32, 16)

        def crow(g, _):
            res = jnp.zeros((16,), jnp.float32)
            for i in range(16):
                res = jnp.where(lane == i, zc[g * 16 + i, pl.ds(0, 16)], res)
            c1d[pl.ds(g * 16, 16)] = res
            return 0

        lax.fori_loop(0, SEG_PER_TILE // 16, crow, 0)
        pltpu.sync_copy(c1d, cnts_hbm.at[pl.ds(cid * S + seg0, SEG_PER_TILE)])

    return k(batch)


def _tc_finish(sums, cnts, W, b):

    def body(s_ref, c_ref, w_ref, b_ref, o_ref):
        seg = s_ref[0] + s_ref[1]
        cnt = c_ref[0] + c_ref[1]
        pooled = seg / jnp.maximum(cnt, 1.0)
        o_ref[...] = (
            jnp.dot(pooled, w_ref[...].T, preferred_element_type=jnp.float32)
            + b_ref[...]
        )

    return pl.pallas_call(
        body,
        out_shape=jax.ShapeDtypeStruct((S, D), jnp.float32),
    )(sums, cnts.reshape(NC, S, 1), W, b.reshape(1, D))


def kernel(x, batch, data, W, b):
    del data
    batch = batch.astype(jnp.int32)
    batch2d = jnp.concatenate(
        [batch.reshape(NSR, SUB),
         jnp.zeros((16, SUB), jnp.int32)], axis=0)
    sums = _sc_segment_sum(x, batch2d)
    cnts = _sc_segment_count(batch2d)
    return _tc_finish(sums, cnts, W, b)

# --- scband reference (transcript-rebuilt; emitter-appended) ---
"""Pipeline reference for scband-graph-pooling-47794396070378 (READ-ONLY COPY).

The authoritative reference and input builder live on the scoring server;
editing this copy changes nothing except your own understanding.
"""

import jax, jax.numpy as jnp
import numpy as np

N = 320000
D_IN = 128
D_OUT = 128
NUM_SEGMENTS = 4096

def setup_inputs(seed: int = 0) -> dict:
    key = jax.random.key(seed)
    k1, k2, k3, k4 = jax.random.split(key, 4)
    x = jax.random.normal(k1, (N, D_IN), dtype=jnp.float32)
    batch = jnp.sort(jax.random.randint(k2, (N,), 0, NUM_SEGMENTS))
    data = jnp.zeros((1,), dtype=jnp.int32)
    # Linear layer params (nn.Linear(num_in, num_out)): W [out, in], b [out]
    W = jax.random.normal(k3, (D_OUT, D_IN), dtype=jnp.float32) * (1.0 / np.sqrt(D_IN))
    b = jax.random.normal(k4, (D_OUT,), dtype=jnp.float32) * 0.01
    return {"x": x, "batch": batch, "data": data, "W": W, "b": b}

def reference(x, batch, data, W, b):
    # global_mean_pool: segment mean over graphs in the batch
    seg_sum = jax.ops.segment_sum(x, batch, num_segments=NUM_SEGMENTS)
    counts = jax.ops.segment_sum(jnp.ones((x.shape[0],), dtype=x.dtype), batch, num_segments=NUM_SEGMENTS)
    pooled = seg_sum / jnp.clip(counts, 1.0)[:, None]
    # dropout p=0.0 (and eval mode) -> identity
    out = pooled @ W.T + b
    return out

if __name__ == "__main__":
    import jax
    _d = setup_inputs()
    print(jax.jit(kernel)(*tuple(_d.values())))

</pallas_src>

<mosaic_0001>
#map = affine_map<(d0, d1) -> (0, 0)>
#map1 = affine_map<(d0, d1) -> (0)>
module attributes {stable_mosaic.version = 14 : i64} {
  func.func @k(%arg0: i32, %arg1: i32, %arg2: memref<2516x128xi32, #tpu.memory_space<hbm>>, %arg3: memref<8192xf32, #tpu.memory_space<hbm>>, %arg4: memref<16x128xi32, #tpu.memory_space<vmem>>, %arg5: memref<128x128xf32, #tpu.memory_space<vmem>>, %arg6: memref<256x128xf32, #tpu.memory_space<vmem>>, %arg7: memref<256xf32, #tpu.memory_space<vmem>>, %arg8: memref<4096x128xf32, #tpu.memory_space<vmem_shared>>) attributes {dimension_semantics = [#tpu.dimension_semantics<core_parallel>, #tpu.dimension_semantics<subcore_parallel>], iteration_bounds = array<i64: 2, 16>, scalar_prefetch = 0 : i64, scratch_operands = 5 : i64, tpu.core_type = #tpu.core_type<sc_vector_subcore>, window_params = [{transform_indices = #map}, {transform_indices = #map1}]} {
    %mul3A = arith.constant 16 : i32
    %mul3A_0 = arith.muli %arg0, %mul3A : i32
    %add3A = arith.addi %mul3A_0, %arg1 : i32
    %scan3A = arith.constant 0 : i32
    %scan3A_1 = arith.constant 0 : i32
    %scan3A_2 = arith.constant 256 : i32
    %scan3A_3 = arith.addi %scan3A_1, %scan3A_2 : i32
    %scan3A_4 = arith.constant 1 : i32
    %scan3A_5 = scf.for %scan3A_91 = %scan3A_1 to %scan3A_3 step %scan3A_4 iter_args(%scan3A_92 = %scan3A) -> (i32)  : i32 {
      %broadcast_in_dim3A = arith.constant 0.000000e+00 : f32
      %broadcast_in_dim3A_93 = vector.broadcast %broadcast_in_dim3A : f32 to vector<16xf32>
      %swap3A = arith.index_cast %scan3A_91 : i32 to index
      %swap3A_94 = arith.constant 0 : index
      %swap3A_95 = tpu.vector_load %arg6[%swap3A, %swap3A_94] {strides = array<i32>} : memref<256x128xf32, #tpu.memory_space<vmem>>, vector<1x16xf32>,
      %swap3A_96 = vector.shape_cast %swap3A_95 : vector<1x16xf32> to vector<16xf32>
      %swap3A_97 = vector.shape_cast %broadcast_in_dim3A_93 : vector<16xf32> to vector<1x16xf32>
      tpu.vector_store %arg6[%swap3A, %swap3A_94], %swap3A_97 {strides = array<i32>} : memref<256x128xf32, #tpu.memory_space<vmem>>, vector<1x16xf32>,
      %broadcast_in_dim3A_98 = arith.constant 0.000000e+00 : f32
      %broadcast_in_dim3A_99 = vector.broadcast %broadcast_in_dim3A_98 : f32 to vector<16xf32>
      %swap3A_100 = arith.index_cast %scan3A_91 : i32 to index
      %swap3A_101 = arith.constant 16 : index
      %swap3A_102 = tpu.vector_load %arg6[%swap3A_100, %swap3A_101] {strides = array<i32>} : memref<256x128xf32, #tpu.memory_space<vmem>>, vector<1x16xf32>,
      %swap3A_103 = vector.shape_cast %swap3A_102 : vector<1x16xf32> to vector<16xf32>
      %swap3A_104 = vector.shape_cast %broadcast_in_dim3A_99 : vector<16xf32> to vector<1x16xf32>
      tpu.vector_store %arg6[%swap3A_100, %swap3A_101], %swap3A_104 {strides = array<i32>} : memref<256x128xf32, #tpu.memory_space<vmem>>, vector<1x16xf32>,
      %broadcast_in_dim3A_105 = arith.constant 0.000000e+00 : f32
      %broadcast_in_dim3A_106 = vector.broadcast %broadcast_in_dim3A_105 : f32 to vector<16xf32>
      %swap3A_107 = arith.index_cast %scan3A_91 : i32 to index
      %swap3A_108 = arith.constant 32 : index
      %swap3A_109 = tpu.vector_load %arg6[%swap3A_107, %swap3A_108] {strides = array<i32>} : memref<256x128xf32, #tpu.memory_space<vmem>>, vector<1x16xf32>,
      %swap3A_110 = vector.shape_cast %swap3A_109 : vector<1x16xf32> to vector<16xf32>
      %swap3A_111 = vector.shape_cast %broadcast_in_dim3A_106 : vector<16xf32> to vector<1x16xf32>
      tpu.vector_store %arg6[%swap3A_107, %swap3A_108], %swap3A_111 {strides = array<i32>} : memref<256x128xf32, #tpu.memory_space<vmem>>, vector<1x16xf32>,
      %broadcast_in_dim3A_112 = arith.constant 0.000000e+00 : f32
      %broadcast_in_dim3A_113 = vector.broadcast %broadcast_in_dim3A_112 : f32 to vector<16xf32>
      %swap3A_114 = arith.index_cast %scan3A_91 : i32 to index
      %swap3A_115 = arith.constant 48 : index
      %swap3A_116 = tpu.vector_load %arg6[%swap3A_114, %swap3A_115] {strides = array<i32>} : memref<256x128xf32, #tpu.memory_space<vmem>>, vector<1x16xf32>,
      %swap3A_117 = vector.shape_cast %swap3A_116 : vector<1x16xf32> to vector<16xf32>
      %swap3A_118 = vector.shape_cast %broadcast_in_dim3A_113 : vector<16xf32> to vector<1x16xf32>
      tpu.vector_store %arg6[%swap3A_114, %swap3A_115], %swap3A_118 {strides = array<i32>} : memref<256x128xf32, #tpu.memory_space<vmem>>, vector<1x16xf32>,
      %broadcast_in_dim3A_119 = arith.constant 0.000000e+00 : f32
      %broadcast_in_dim3A_120 = vector.broadcast %broadcast_in_dim3A_119 : f32 to vector<16xf32>
      %swap3A_121 = arith.index_cast %scan3A_91 : i32 to index
      %swap3A_122 = arith.constant 64 : index
      %swap3A_123 = tpu.vector_load %arg6[%swap3A_121, %swap3A_122] {strides = array<i32>} : memref<256x128xf32, #tpu.memory_space<vmem>>, vector<1x16xf32>,
      %swap3A_124 = vector.shape_cast %swap3A_123 : vector<1x16xf32> to vector<16xf32>
      %swap3A_125 = vector.shape_cast %broadcast_in_dim3A_120 : vector<16xf32> to vector<1x16xf32>
      tpu.vector_store %arg6[%swap3A_121, %swap3A_122], %swap3A_125 {strides = array<i32>} : memref<256x128xf32, #tpu.memory_space<vmem>>, vector<1x16xf32>,
      %broadcast_in_dim3A_126 = arith.constant 0.000000e+00 : f32
      %broadcast_in_dim3A_127 = vector.broadcast %broadcast_in_dim3A_126 : f32 to vector<16xf32>
      %swap3A_128 = arith.index_cast %scan3A_91 : i32 to index
      %swap3A_129 = arith.constant 80 : index
      %swap3A_130 = tpu.vector_load %arg6[%swap3A_128, %swap3A_129] {strides = array<i32>} : memref<256x128xf32, #tpu.memory_space<vmem>>, vector<1x16xf32>,
      %swap3A_131 = vector.shape_cast %swap3A_130 : vector<1x16xf32> to vector<16xf32>
      %swap3A_132 = vector.shape_cast %broadcast_in_dim3A_127 : vector<16xf32> to vector<1x16xf32>
      tpu.vector_store %arg6[%swap3A_128, %swap3A_129], %swap3A_132 {strides = array<i32>} : memref<256x128xf32, #tpu.memory_space<vmem>>, vector<1x16xf32>,
      %broadcast_in_dim3A_133 = arith.constant 0.000000e+00 : f32
      %broadcast_in_dim3A_134 = vector.broadcast %broadcast_in_dim3A_133 : f32 to vector<16xf32>
      %swap3A_135 = arith.index_cast %scan3A_91 : i32 to index
      %swap3A_136 = arith.constant 96 : index
      %swap3A_137 = tpu.vector_load %arg6[%swap3A_135, %swap3A_136] {strides = array<i32>} : memref<256x128xf32, #tpu.memory_space<vmem>>, vector<1x16xf32>,
      %swap3A_138 = vector.shape_cast %swap3A_137 : vector<1x16xf32> to vector<16xf32>
      %swap3A_139 = vector.shape_cast %broadcast_in_dim3A_134 : vector<16xf32> to vector<1x16xf32>
      tpu.vector_store %arg6[%swap3A_135, %swap3A_136], %swap3A_139 {strides = array<i32>} : memref<256x128xf32, #tpu.memory_space<vmem>>, vector<1x16xf32>,
      %broadcast_in_dim3A_140 = arith.constant 0.000000e+00 : f32
      %broadcast_in_dim3A_141 = vector.broadcast %broadcast_in_dim3A_140 : f32 to vector<16xf32>
      %swap3A_142 = arith.index_cast %scan3A_91 : i32 to index
      %swap3A_143 = arith.constant 112 : index
      %swap3A_144 = tpu.vector_load %arg6[%swap3A_142, %swap3A_143] {strides = array<i32>} : memref<256x128xf32, #tpu.memory_space<vmem>>, vector<1x16xf32>,
      %swap3A_145 = vector.shape_cast %swap3A_144 : vector<1x16xf32> to vector<16xf32>
      %swap3A_146 = vector.shape_cast %broadcast_in_dim3A_141 : vector<16xf32> to vector<1x16xf32>
      tpu.vector_store %arg6[%swap3A_142, %swap3A_143], %swap3A_146 {strides = array<i32>} : memref<256x128xf32, #tpu.memory_space<vmem>>, vector<1x16xf32>,
      %scan3A_147 = arith.constant 0 : i32
      scf.yield %scan3A_147 : i32
    }
    %scan3A_6 = arith.constant 256 : i32
    %scan3A_7 = arith.constant 0 : i32
    %scan3A_8 = arith.constant 0 : i32
    %scan3A_9 = arith.constant 128 : i32
    %scan3A_10 = arith.addi %scan3A_8, %scan3A_9 : i32
    %scan3A_11 = arith.constant 1 : i32
    %scan3A_12 = scf.for %scan3A_91 = %scan3A_8 to %scan3A_10 step %scan3A_11 iter_args(%scan3A_92 = %scan3A_7) -> (i32)  : i32 {
      %broadcast_in_dim3A = arith.constant 1.000000e+00 : f32
      %broadcast_in_dim3A_93 = vector.broadcast %broadcast_in_dim3A : f32 to vector<16xf32>
      %swap3A = arith.index_cast %scan3A_91 : i32 to index
      %swap3A_94 = arith.constant 0 : index
      %swap3A_95 = tpu.vector_load %arg5[%swap3A, %swap3A_94] {strides = array<i32>} : memref<128x128xf32, #tpu.memory_space<vmem>>, vector<1x16xf32>,
      %swap3A_96 = vector.shape_cast %swap3A_95 : vector<1x16xf32> to vector<16xf32>
      %swap3A_97 = vector.shape_cast %broadcast_in_dim3A_93 : vector<16xf32> to vector<1x16xf32>
      tpu.vector_store %arg5[%swap3A, %swap3A_94], %swap3A_97 {strides = array<i32>} : memref<128x128xf32, #tpu.memory_space<vmem>>, vector<1x16xf32>,
      %broadcast_in_dim3A_98 = arith.constant 1.000000e+00 : f32
      %broadcast_in_dim3A_99 = vector.broadcast %broadcast_in_dim3A_98 : f32 to vector<16xf32>
      %swap3A_100 = arith.index_cast %scan3A_91 : i32 to index
      %swap3A_101 = arith.constant 16 : index
      %swap3A_102 = tpu.vector_load %arg5[%swap3A_100, %swap3A_101] {strides = array<i32>} : memref<128x128xf32, #tpu.memory_space<vmem>>, vector<1x16xf32>,
      %swap3A_103 = vector.shape_cast %swap3A_102 : vector<1x16xf32> to vector<16xf32>
      %swap3A_104 = vector.shape_cast %broadcast_in_dim3A_99 : vector<16xf32> to vector<1x16xf32>
      tpu.vector_store %arg5[%swap3A_100, %swap3A_101], %swap3A_104 {strides = array<i32>} : memref<128x128xf32, #tpu.memory_space<vmem>>, vector<1x16xf32>,
      %broadcast_in_dim3A_105 = arith.constant 1.000000e+00 : f32
      %broadcast_in_dim3A_106 = vector.broadcast %broadcast_in_dim3A_105 : f32 to vector<16xf32>
      %swap3A_107 = arith.index_cast %scan3A_91 : i32 to index
      %swap3A_108 = arith.constant 32 : index
      %swap3A_109 = tpu.vector_load %arg5[%swap3A_107, %swap3A_108] {strides = array<i32>} : memref<128x128xf32, #tpu.memory_space<vmem>>, vector<1x16xf32>,
      %swap3A_110 = vector.shape_cast %swap3A_109 : vector<1x16xf32> to vector<16xf32>
      %swap3A_111 = vector.shape_cast %broadcast_in_dim3A_106 : vector<16xf32> to vector<1x16xf32>
      tpu.vector_store %arg5[%swap3A_107, %swap3A_108], %swap3A_111 {strides = array<i32>} : memref<128x128xf32, #tpu.memory_space<vmem>>, vector<1x16xf32>,
      %broadcast_in_dim3A_112 = arith.constant 1.000000e+00 : f32
      %broadcast_in_dim3A_113 = vector.broadcast %broadcast_in_dim3A_112 : f32 to vector<16xf32>
      %swap3A_114 = arith.index_cast %scan3A_91 : i32 to index
      %swap3A_115 = arith.constant 48 : index
      %swap3A_116 = tpu.vector_load %arg5[%swap3A_114, %swap3A_115] {strides = array<i32>} : memref<128x128xf32, #tpu.memory_space<vmem>>, vector<1x16xf32>,
      %swap3A_117 = vector.shape_cast %swap3A_116 : vector<1x16xf32> to vector<16xf32>
      %swap3A_118 = vector.shape_cast %broadcast_in_dim3A_113 : vector<16xf32> to vector<1x16xf32>
      tpu.vector_store %arg5[%swap3A_114, %swap3A_115], %swap3A_118 {strides = array<i32>} : memref<128x128xf32, #tpu.memory_space<vmem>>, vector<1x16xf32>,
      %broadcast_in_dim3A_119 = arith.constant 1.000000e+00 : f32
      %broadcast_in_dim3A_120 = vector.broadcast %broadcast_in_dim3A_119 : f32 to vector<16xf32>
      %swap3A_121 = arith.index_cast %scan3A_91 : i32 to index
      %swap3A_122 = arith.constant 64 : index
      %swap3A_123 = tpu.vector_load %arg5[%swap3A_121, %swap3A_122] {strides = array<i32>} : memref<128x128xf32, #tpu.memory_space<vmem>>, vector<1x16xf32>,
      %swap3A_124 = vector.shape_cast %swap3A_123 : vector<1x16xf32> to vector<16xf32>
      %swap3A_125 = vector.shape_cast %broadcast_in_dim3A_120 : vector<16xf32> to vector<1x16xf32>
      tpu.vector_store %arg5[%swap3A_121, %swap3A_122], %swap3A_125 {strides = array<i32>} : memref<128x128xf32, #tpu.memory_space<vmem>>, vector<1x16xf32>,
      %broadcast_in_dim3A_126 = arith.constant 1.000000e+00 : f32
      %broadcast_in_dim3A_127 = vector.broadcast %broadcast_in_dim3A_126 : f32 to vector<16xf32>
      %swap3A_128 = arith.index_cast %scan3A_91 : i32 to index
      %swap3A_129 = arith.constant 80 : index
      %swap3A_130 = tpu.vector_load %arg5[%swap3A_128, %swap3A_129] {strides = array<i32>} : memref<128x128xf32, #tpu.memory_space<vmem>>, vector<1x16xf32>,
      %swap3A_131 = vector.shape_cast %swap3A_130 : vector<1x16xf32> to vector<16xf32>
      %swap3A_132 = vector.shape_cast %broadcast_in_dim3A_127 : vector<16xf32> to vector<1x16xf32>
      tpu.vector_store %arg5[%swap3A_128, %swap3A_129], %swap3A_132 {strides = array<i32>} : memref<128x128xf32, #tpu.memory_space<vmem>>, vector<1x16xf32>,
      %broadcast_in_dim3A_133 = arith.constant 1.000000e+00 : f32
      %broadcast_in_dim3A_134 = vector.broadcast %broadcast_in_dim3A_133 : f32 to vector<16xf32>
      %swap3A_135 = arith.index_cast %scan3A_91 : i32 to index
      %swap3A_136 = arith.constant 96 : index
      %swap3A_137 = tpu.vector_load %arg5[%swap3A_135, %swap3A_136] {strides = array<i32>} : memref<128x128xf32, #tpu.memory_space<vmem>>, vector<1x16xf32>,
      %swap3A_138 = vector.shape_cast %swap3A_137 : vector<1x16xf32> to vector<16xf32>
      %swap3A_139 = vector.shape_cast %broadcast_in_dim3A_134 : vector<16xf32> to vector<1x16xf32>
      tpu.vector_store %arg5[%swap3A_135, %swap3A_136], %swap3A_139 {strides = array<i32>} : memref<128x128xf32, #tpu.memory_space<vmem>>, vector<1x16xf32>,
      %broadcast_in_dim3A_140 = arith.constant 1.000000e+00 : f32
      %broadcast_in_dim3A_141 = vector.broadcast %broadcast_in_dim3A_140 : f32 to vector<16xf32>
      %swap3A_142 = arith.index_cast %scan3A_91 : i32 to index
      %swap3A_143 = arith.constant 112 : index
      %swap3A_144 = tpu.vector_load %arg5[%swap3A_142, %swap3A_143] {strides = array<i32>} : memref<128x128xf32, #tpu.memory_space<vmem>>, vector<1x16xf32>,
      %swap3A_145 = vector.shape_cast %swap3A_144 : vector<1x16xf32> to vector<16xf32>
      %swap3A_146 = vector.shape_cast %broadcast_in_dim3A_141 : vector<16xf32> to vector<1x16xf32>
      tpu.vector_store %arg5[%swap3A_142, %swap3A_143], %swap3A_146 {strides = array<i32>} : memref<128x128xf32, #tpu.memory_space<vmem>>, vector<1x16xf32>,
      %scan3A_147 = arith.constant 0 : i32
      scf.yield %scan3A_147 : i32
    }
    %scan3A_13 = arith.constant 128 : i32
    %mul3A_14 = arith.constant 256 : i32
    %mul3A_15 = arith.muli %arg1, %mul3A_14 : i32
    "tpu.region"() ({
      %run_scoped3A = tpu.sem_alloc : memref<!tpu.dma_semaphore, #tpu.memory_space<semaphore_mem>>
      %dma_start3A = arith.constant 0 : i32
      %dma_start3A_91 = tpu.memref_slice %arg8[%mul3A_15, %dma_start3A] : memref<4096x128xf32, #tpu.memory_space<vmem_shared>> -> memref<256x128xf32, #tpu.memory_space<vmem_shared>>
      %dma_start3A_92 = arith.constant 0 : i32
      %dma_start3A_93 = tpu.memref_slice %arg8[%mul3A_15, %dma_start3A_92] : memref<4096x128xf32, #tpu.memory_space<vmem_shared>> -> memref<256x128xf32, #tpu.memory_space<vmem_shared>>
      tpu.enqueue_dma source(%arg6 : memref<256x128xf32, #tpu.memory_space<vmem>>) target(%dma_start3A_93 : memref<256x128xf32, #tpu.memory_space<vmem_shared>>) target_semaphore(%run_scoped3A : memref<!tpu.dma_semaphore, #tpu.memory_space<semaphore_mem>>)
      %dma_wait3A = arith.constant 0 : i32
      %dma_wait3A_94 = tpu.memref_slice %arg8[%mul3A_15, %dma_wait3A] : memref<4096x128xf32, #tpu.memory_space<vmem_shared>> -> memref<256x128xf32, #tpu.memory_space<vmem_shared>>
      %dma_wait3A_95 = arith.constant 0 : i32
      %dma_wait3A_96 = tpu.memref_slice %arg8[%mul3A_15, %dma_wait3A_95] : memref<4096x128xf32, #tpu.memory_space<vmem_shared>> -> memref<256x128xf32, #tpu.memory_space<vmem_shared>>
      tpu.wait_dma2 semaphore(%run_scoped3A : memref<!tpu.dma_semaphore, #tpu.memory_space<semaphore_mem>>) src(%arg6 : memref<256x128xf32, #tpu.memory_space<vmem>>) dst(%dma_wait3A_96 : memref<256x128xf32, #tpu.memory_space<vmem_shared>>)
      tpu.yield
    }) : () -> ()
    %barrier3A = arith.constant 0 : index
    tpu.barrier barrier_id(%barrier3A)
    %lt3A = arith.constant 4 : i32
    %lt3A_16 = arith.cmpi slt, %add3A, %lt3A : i32
    %jit3A = arith.constant 1 : i32
    %jit3A_17 = arith.constant 0 : i32
    %select_n3A = arith.select %lt3A_16, %jit3A, %jit3A_17 : i32
    %add3A_18 = arith.constant 78 : i32
    %add3A_19 = arith.addi %add3A_18, %select_n3A : i32
    %mul3A_20 = arith.constant 78 : i32
    %mul3A_21 = arith.muli %mul3A_20, %add3A : i32
    %min3A = arith.constant 4 : i32
    %min3A_22 = arith.minsi %add3A, %min3A : i32
    %add3A_23 = arith.addi %mul3A_21, %min3A_22 : i32
    %jit3A_24 = arith.constant 3 : i32
    %div3A = arith.divsi %add3A_19, %jit3A_24 : i32
    %sign3A = arith.constant 0 : i32
    %sign3A_25 = arith.cmpi sgt, %add3A_19, %sign3A : i32
    %sign3A_26 = arith.extui %sign3A_25 : i1 to i32
    %sign3A_27 = arith.constant 0 : i32
    %sign3A_28 = arith.cmpi slt, %add3A_19, %sign3A_27 : i32
    %sign3A_29 = arith.extui %sign3A_28 : i1 to i32
    %sign3A_30 = arith.subi %sign3A_26, %sign3A_29 : i32
    %sign3A_31 = arith.constant 0 : i32
    %sign3A_32 = arith.cmpi sgt, %jit3A_24, %sign3A_31 : i32
    %sign3A_33 = arith.extui %sign3A_32 : i1 to i32
    %sign3A_34 = arith.constant 0 : i32
    %sign3A_35 = arith.cmpi slt, %jit3A_24, %sign3A_34 : i32
    %sign3A_36 = arith.extui %sign3A_35 : i1 to i32
    %sign3A_37 = arith.subi %sign3A_33, %sign3A_36 : i32
    %ne3A = arith.cmpi ne, %sign3A_30, %sign3A_37 : i32
    %rem3A = arith.remsi %add3A_19, %jit3A_24 : i32
    %ne3A_38 = arith.constant 0 : i32
    %ne3A_39 = arith.cmpi ne, %rem3A, %ne3A_38 : i32
    %and3A = arith.andi %ne3A, %ne3A_39 : i1
    %sub3A = arith.constant 1 : i32
    %sub3A_40 = arith.subi %div3A, %sub3A : i32
    %select_n3A_41 = arith.select %and3A, %sub3A_40, %div3A : i32
    %while3A = arith.constant 0 : i32
    %while3A_42 = arith.constant 0 : i32
    %while3A_43 = arith.subi %select_n3A_41, %while3A : i32
    %while3A_44 = arith.addi %while3A, %while3A_43 : i32
    %while3A_45 = arith.constant 1 : i32
    %while3A_46 = arith.divsi %while3A_43, %while3A_45 : i32
    %while3A_47 = arith.muli %while3A_46, %while3A_45 : i32
    %while3A_48 = arith.addi %while3A, %while3A_47 : i32
    %while3A_49 = arith.constant 1 : i32
    %while3A_50 = scf.for %while3A_91 = %while3A to %while3A_48 step %while3A_49 iter_args(%while3A_92 = %while3A_42) -> (i32)  : i32 {
      %mul3A_93 = arith.constant 3 : i32
      %mul3A_94 = arith.muli %while3A_91, %mul3A_93 : i32
      %add3A_95 = arith.addi %add3A_23, %mul3A_94 : i32
      %jit3A_96 = arith.constant 8 : i32
      %div3A_97 = arith.divsi %add3A_95, %jit3A_96 : i32
      %sign3A_98 = arith.constant 0 : i32
      %sign3A_99 = arith.cmpi sgt, %add3A_95, %sign3A_98 : i32
      %sign3A_100 = arith.extui %sign3A_99 : i1 to i32
      %sign3A_101 = arith.constant 0 : i32
      %sign3A_102 = arith.cmpi slt, %add3A_95, %sign3A_101 : i32
      %sign3A_103 = arith.extui %sign3A_102 : i1 to i32
      %sign3A_104 = arith.subi %sign3A_100, %sign3A_103 : i32
      %sign3A_105 = arith.constant 0 : i32
      %sign3A_106 = arith.cmpi sgt, %jit3A_96, %sign3A_105 : i32
      %sign3A_107 = arith.extui %sign3A_106 : i1 to i32
      %sign3A_108 = arith.constant 0 : i32
      %sign3A_109 = arith.cmpi slt, %jit3A_96, %sign3A_108 : i32
      %sign3A_110 = arith.extui %sign3A_109 : i1 to i32
      %sign3A_111 = arith.subi %sign3A_107, %sign3A_110 : i32
      %ne3A_112 = arith.cmpi ne, %sign3A_104, %sign3A_111 : i32
      %rem3A_113 = arith.remsi %add3A_95, %jit3A_96 : i32
      %ne3A_114 = arith.constant 0 : i32
      %ne3A_115 = arith.cmpi ne, %rem3A_113, %ne3A_114 : i32
      %and3A_116 = arith.andi %ne3A_112, %ne3A_115 : i1
      %sub3A_117 = arith.constant 1 : i32
      %sub3A_118 = arith.subi %div3A_97, %sub3A_117 : i32
      %select_n3A_119 = arith.select %and3A_116, %sub3A_118, %div3A_97 : i32
      %mul3A_120 = arith.constant 8 : i32
      %mul3A_121 = arith.muli %select_n3A_119, %mul3A_120 : i32
      %sub3A_122 = arith.subi %add3A_95, %mul3A_121 : i32
      "tpu.region"() ({
        %run_scoped3A = tpu.sem_alloc : memref<!tpu.dma_semaphore, #tpu.memory_space<semaphore_mem>>
        %dma_start3A = arith.constant 0 : i32
        %dma_start3A_130 = tpu.memref_slice %arg2[%mul3A_121, %dma_start3A] : memref<2516x128xi32, #tpu.memory_space<hbm>> -> memref<16x128xi32, #tpu.memory_space<hbm>>
        %dma_start3A_131 = arith.constant 0 : i32
        %dma_start3A_132 = tpu.memref_slice %arg2[%mul3A_121, %dma_start3A_131] : memref<2516x128xi32, #tpu.memory_space<hbm>> -> memref<16x128xi32, #tpu.memory_space<hbm>>
        tpu.enqueue_dma source(%dma_start3A_132 : memref<16x128xi32, #tpu.memory_space<hbm>>) target(%arg4 : memref<16x128xi32, #tpu.memory_space<vmem>>) target_semaphore(%run_scoped3A : memref<!tpu.dma_semaphore, #tpu.memory_space<semaphore_mem>>)
        %dma_wait3A = arith.constant 0 : i32
        %dma_wait3A_133 = tpu.memref_slice %arg2[%mul3A_121, %dma_wait3A] : memref<2516x128xi32, #tpu.memory_space<hbm>> -> memref<16x128xi32, #tpu.memory_space<hbm>>
        %dma_wait3A_134 = arith.constant 0 : i32
        %dma_wait3A_135 = tpu.memref_slice %arg2[%mul3A_121, %dma_wait3A_134] : memref<2516x128xi32, #tpu.memory_space<hbm>> -> memref<16x128xi32, #tpu.memory_space<hbm>>
        tpu.wait_dma2 semaphore(%run_scoped3A : memref<!tpu.dma_semaphore, #tpu.memory_space<semaphore_mem>>) src(%dma_wait3A_135 : memref<16x128xi32, #tpu.memory_space<hbm>>) dst(%arg4 : memref<16x128xi32, #tpu.memory_space<vmem>>)
        tpu.yield
      }) : () -> ()
      %add3A_123 = arith.constant 0 : i32
      %add3A_124 = arith.addi %sub3A_122, %add3A_123 : i32
      "tpu.region"() ({
        %run_scoped3A = tpu.sem_alloc : memref<!tpu.dma_semaphore, #tpu.memory_space<semaphore_mem>>
        %dma_start3A = arith.constant 0 : i32
        %dma_start3A_130 = tpu.memref_slice %arg4[%add3A_124, %dma_start3A] : memref<16x128xi32, #tpu.memory_space<vmem>> -> memref<1x128xi32, #tpu.memory_space<vmem>>
        %dma_start3A_131 = tpu.memref_squeeze %dma_start3A_130 : memref<1x128xi32, #tpu.memory_space<vmem>> -> memref<128xi32, #tpu.memory_space<vmem>>
        %dma_start3A_132 = arith.constant 0 : i32
        %dma_start3A_133 = arith.constant 0 : i32
        %dma_start3A_134 = tpu.memref_slice %arg8[%dma_start3A_132, %dma_start3A_133] : memref<4096x128xf32, #tpu.memory_space<vmem_shared>> -> memref<4096x128xf32, #tpu.memory_space<vmem_shared>>
        tpu.enqueue_indirect_dma source(%arg5 : memref<128x128xf32, #tpu.memory_space<vmem>>) target(%dma_start3A_134 : memref<4096x128xf32, #tpu.memory_space<vmem_shared>>) offsets(%dma_start3A_131 : memref<128xi32, #tpu.memory_space<vmem>>) semaphore(%run_scoped3A : memref<!tpu.dma_semaphore, #tpu.memory_space<semaphore_mem>>) {add = true}
        %dma_wait3A = arith.constant 0 : i32
        %dma_wait3A_135 = tpu.memref_slice %arg4[%add3A_124, %dma_wait3A] : memref<16x128xi32, #tpu.memory_space<vmem>> -> memref<1x128xi32, #tpu.memory_space<vmem>>
        %dma_wait3A_136 = tpu.memref_squeeze %dma_wait3A_135 : memref<1x128xi32, #tpu.memory_space<vmem>> -> memref<128xi32, #tpu.memory_space<vmem>>
        %dma_wait3A_137 = arith.constant 0 : i32
        %dma_wait3A_138 = arith.constant 0 : i32
        %dma_wait3A_139 = tpu.memref_slice %arg8[%dma_wait3A_137, %dma_wait3A_138] : memref<4096x128xf32, #tpu.memory_space<vmem_shared>> -> memref<4096x128xf32, #tpu.memory_space<vmem_shared>>
        tpu.wait_indirect_dma semaphore(%run_scoped3A : memref<!tpu.dma_semaphore, #tpu.memory_space<semaphore_mem>>) src(%arg5 : memref<128x128xf32, #tpu.memory_space<vmem>>) dst(%dma_wait3A_139 : memref<4096x128xf32, #tpu.memory_space<vmem_shared>>)
        tpu.yield
      }) : () -> ()
      %add3A_125 = arith.constant 1 : i32
      %add3A_126 = arith.addi %sub3A_122, %add3A_125 : i32
      "tpu.region"() ({
        %run_scoped3A = tpu.sem_alloc : memref<!tpu.dma_semaphore, #tpu.memory_space<semaphore_mem>>
        %dma_start3A = arith.constant 0 : i32
        %dma_start3A_130 = tpu.memref_slice %arg4[%add3A_126, %dma_start3A] : memref<16x128xi32, #tpu.memory_space<vmem>> -> memref<1x128xi32, #tpu.memory_space<vmem>>
        %dma_start3A_131 = tpu.memref_squeeze %dma_start3A_130 : memref<1x128xi32, #tpu.memory_space<vmem>> -> memref<128xi32, #tpu.memory_space<vmem>>
        %dma_start3A_132 = arith.constant 0 : i32
        %dma_start3A_133 = arith.constant 0 : i32
        %dma_start3A_134 = tpu.memref_slice %arg8[%dma_start3A_132, %dma_start3A_133] : memref<4096x128xf32, #tpu.memory_space<vmem_shared>> -> memref<4096x128xf32, #tpu.memory_space<vmem_shared>>
        tpu.enqueue_indirect_dma source(%arg5 : memref<128x128xf32, #tpu.memory_space<vmem>>) target(%dma_start3A_134 : memref<4096x128xf32, #tpu.memory_space<vmem_shared>>) offsets(%dma_start3A_131 : memref<128xi32, #tpu.memory_space<vmem>>) semaphore(%run_scoped3A : memref<!tpu.dma_semaphore, #tpu.memory_space<semaphore_mem>>) {add = true}
        %dma_wait3A = arith.constant 0 : i32
        %dma_wait3A_135 = tpu.memref_slice %arg4[%add3A_126, %dma_wait3A] : memref<16x128xi32, #tpu.memory_space<vmem>> -> memref<1x128xi32, #tpu.memory_space<vmem>>
        %dma_wait3A_136 = tpu.memref_squeeze %dma_wait3A_135 : memref<1x128xi32, #tpu.memory_space<vmem>> -> memref<128xi32, #tpu.memory_space<vmem>>
        %dma_wait3A_137 = arith.constant 0 : i32
        %dma_wait3A_138 = arith.constant 0 : i32
        %dma_wait3A_139 = tpu.memref_slice %arg8[%dma_wait3A_137, %dma_wait3A_138] : memref<4096x128xf32, #tpu.memory_space<vmem_shared>> -> memref<4096x128xf32, #tpu.memory_space<vmem_shared>>
        tpu.wait_indirect_dma semaphore(%run_scoped3A : memref<!tpu.dma_semaphore, #tpu.memory_space<semaphore_mem>>) src(%arg5 : memref<128x128xf32, #tpu.memory_space<vmem>>) dst(%dma_wait3A_139 : memref<4096x128xf32, #tpu.memory_space<vmem_shared>>)
        tpu.yield
      }) : () -> ()
      %add3A_127 = arith.constant 2 : i32
      %add3A_128 = arith.addi %sub3A_122, %add3A_127 : i32
      "tpu.region"() ({
        %run_scoped3A = tpu.sem_alloc : memref<!tpu.dma_semaphore, #tpu.memory_space<semaphore_mem>>
        %dma_start3A = arith.constant 0 : i32
        %dma_start3A_130 = tpu.memref_slice %arg4[%add3A_128, %dma_start3A] : memref<16x128xi32, #tpu.memory_space<vmem>> -> memref<1x128xi32, #tpu.memory_space<vmem>>
        %dma_start3A_131 = tpu.memref_squeeze %dma_start3A_130 : memref<1x128xi32, #tpu.memory_space<vmem>> -> memref<128xi32, #tpu.memory_space<vmem>>
        %dma_start3A_132 = arith.constant 0 : i32
        %dma_start3A_133 = arith.constant 0 : i32
        %dma_start3A_134 = tpu.memref_slice %arg8[%dma_start3A_132, %dma_start3A_133] : memref<4096x128xf32, #tpu.memory_space<vmem_shared>> -> memref<4096x128xf32, #tpu.memory_space<vmem_shared>>
        tpu.enqueue_indirect_dma source(%arg5 : memref<128x128xf32, #tpu.memory_space<vmem>>) target(%dma_start3A_134 : memref<4096x128xf32, #tpu.memory_space<vmem_shared>>) offsets(%dma_start3A_131 : memref<128xi32, #tpu.memory_space<vmem>>) semaphore(%run_scoped3A : memref<!tpu.dma_semaphore, #tpu.memory_space<semaphore_mem>>) {add = true}
        %dma_wait3A = arith.constant 0 : i32
        %dma_wait3A_135 = tpu.memref_slice %arg4[%add3A_128, %dma_wait3A] : memref<16x128xi32, #tpu.memory_space<vmem>> -> memref<1x128xi32, #tpu.memory_space<vmem>>
        %dma_wait3A_136 = tpu.memref_squeeze %dma_wait3A_135 : memref<1x128xi32, #tpu.memory_space<vmem>> -> memref<128xi32, #tpu.memory_space<vmem>>
        %dma_wait3A_137 = arith.constant 0 : i32
        %dma_wait3A_138 = arith.constant 0 : i32
        %dma_wait3A_139 = tpu.memref_slice %arg8[%dma_wait3A_137, %dma_wait3A_138] : memref<4096x128xf32, #tpu.memory_space<vmem_shared>> -> memref<4096x128xf32, #tpu.memory_space<vmem_shared>>
        tpu.wait_indirect_dma semaphore(%run_scoped3A : memref<!tpu.dma_semaphore, #tpu.memory_space<semaphore_mem>>) src(%arg5 : memref<128x128xf32, #tpu.memory_space<vmem>>) dst(%dma_wait3A_139 : memref<4096x128xf32, #tpu.memory_space<vmem_shared>>)
        tpu.yield
      }) : () -> ()
      %while3A_129 = arith.constant 0 : i32
      scf.yield %while3A_129 : i32
    }
    %while3A_51 = arith.constant 1 : i32
    %while3A_52 = scf.for %while3A_91 = %while3A_48 to %while3A_44 step %while3A_51 iter_args(%while3A_92 = %while3A_50) -> (i32)  : i32 {
      %mul3A_93 = arith.constant 3 : i32
      %mul3A_94 = arith.muli %while3A_91, %mul3A_93 : i32
      %add3A_95 = arith.addi %add3A_23, %mul3A_94 : i32
      %jit3A_96 = arith.constant 8 : i32
      %div3A_97 = arith.divsi %add3A_95, %jit3A_96 : i32
      %sign3A_98 = arith.constant 0 : i32
      %sign3A_99 = arith.cmpi sgt, %add3A_95, %sign3A_98 : i32
      %sign3A_100 = arith.extui %sign3A_99 : i1 to i32
      %sign3A_101 = arith.constant 0 : i32
      %sign3A_102 = arith.cmpi slt, %add3A_95, %sign3A_101 : i32
      %sign3A_103 = arith.extui %sign3A_102 : i1 to i32
      %sign3A_104 = arith.subi %sign3A_100, %sign3A_103 : i32
      %sign3A_105 = arith.constant 0 : i32
      %sign3A_106 = arith.cmpi sgt, %jit3A_96, %sign3A_105 : i32
      %sign3A_107 = arith.extui %sign3A_106 : i1 to i32
      %sign3A_108 = arith.constant 0 : i32
      %sign3A_109 = arith.cmpi slt, %jit3A_96, %sign3A_108 : i32
      %sign3A_110 = arith.extui %sign3A_109 : i1 to i32
      %sign3A_111 = arith.subi %sign3A_107, %sign3A_110 : i32
      %ne3A_112 = arith.cmpi ne, %sign3A_104, %sign3A_111 : i32
      %rem3A_113 = arith.remsi %add3A_95, %jit3A_96 : i32
      %ne3A_114 = arith.constant 0 : i32
      %ne3A_115 = arith.cmpi ne, %rem3A_113, %ne3A_114 : i32
      %and3A_116 = arith.andi %ne3A_112, %ne3A_115 : i1
      %sub3A_117 = arith.constant 1 : i32
      %sub3A_118 = arith.subi %div3A_97, %sub3A_117 : i32
      %select_n3A_119 = arith.select %and3A_116, %sub3A_118, %div3A_97 : i32
      %mul3A_120 = arith.constant 8 : i32
      %mul3A_121 = arith.muli %select_n3A_119, %mul3A_120 : i32
      %sub3A_122 = arith.subi %add3A_95, %mul3A_121 : i32
      "tpu.region"() ({
        %run_scoped3A = tpu.sem_alloc : memref<!tpu.dma_semaphore, #tpu.memory_space<semaphore_mem>>
        %dma_start3A = arith.constant 0 : i32
        %dma_start3A_130 = tpu.memref_slice %arg2[%mul3A_121, %dma_start3A] : memref<2516x128xi32, #tpu.memory_space<hbm>> -> memref<16x128xi32, #tpu.memory_space<hbm>>
        %dma_start3A_131 = arith.constant 0 : i32
        %dma_start3A_132 = tpu.memref_slice %arg2[%mul3A_121, %dma_start3A_131] : memref<2516x128xi32, #tpu.memory_space<hbm>> -> memref<16x128xi32, #tpu.memory_space<hbm>>
        tpu.enqueue_dma source(%dma_start3A_132 : memref<16x128xi32, #tpu.memory_space<hbm>>) target(%arg4 : memref<16x128xi32, #tpu.memory_space<vmem>>) target_semaphore(%run_scoped3A : memref<!tpu.dma_semaphore, #tpu.memory_space<semaphore_mem>>)
        %dma_wait3A = arith.constant 0 : i32
        %dma_wait3A_133 = tpu.memref_slice %arg2[%mul3A_121, %dma_wait3A] : memref<2516x128xi32, #tpu.memory_space<hbm>> -> memref<16x128xi32, #tpu.memory_space<hbm>>
        %dma_wait3A_134 = arith.constant 0 : i32
        %dma_wait3A_135 = tpu.memref_slice %arg2[%mul3A_121, %dma_wait3A_134] : memref<2516x128xi32, #tpu.memory_space<hbm>> -> memref<16x128xi32, #tpu.memory_space<hbm>>
        tpu.wait_dma2 semaphore(%run_scoped3A : memref<!tpu.dma_semaphore, #tpu.memory_space<semaphore_mem>>) src(%dma_wait3A_135 : memref<16x128xi32, #tpu.memory_space<hbm>>) dst(%arg4 : memref<16x128xi32, #tpu.memory_space<vmem>>)
        tpu.yield
      }) : () -> ()
      %add3A_123 = arith.constant 0 : i32
      %add3A_124 = arith.addi %sub3A_122, %add3A_123 : i32
      "tpu.region"() ({
        %run_scoped3A = tpu.sem_alloc : memref<!tpu.dma_semaphore, #tpu.memory_space<semaphore_mem>>
        %dma_start3A = arith.constant 0 : i32
        %dma_start3A_130 = tpu.memref_slice %arg4[%add3A_124, %dma_start3A] : memref<16x128xi32, #tpu.memory_space<vmem>> -> memref<1x128xi32, #tpu.memory_space<vmem>>
        %dma_start3A_131 = tpu.memref_squeeze %dma_start3A_130 : memref<1x128xi32, #tpu.memory_space<vmem>> -> memref<128xi32, #tpu.memory_space<vmem>>
        %dma_start3A_132 = arith.constant 0 : i32
        %dma_start3A_133 = arith.constant 0 : i32
        %dma_start3A_134 = tpu.memref_slice %arg8[%dma_start3A_132, %dma_start3A_133] : memref<4096x128xf32, #tpu.memory_space<vmem_shared>> -> memref<4096x128xf32, #tpu.memory_space<vmem_shared>>
        tpu.enqueue_indirect_dma source(%arg5 : memref<128x128xf32, #tpu.memory_space<vmem>>) target(%dma_start3A_134 : memref<4096x128xf32, #tpu.memory_space<vmem_shared>>) offsets(%dma_start3A_131 : memref<128xi32, #tpu.memory_space<vmem>>) semaphore(%run_scoped3A : memref<!tpu.dma_semaphore, #tpu.memory_space<semaphore_mem>>) {add = true}
        %dma_wait3A = arith.constant 0 : i32
        %dma_wait3A_135 = tpu.memref_slice %arg4[%add3A_124, %dma_wait3A] : memref<16x128xi32, #tpu.memory_space<vmem>> -> memref<1x128xi32, #tpu.memory_space<vmem>>
        %dma_wait3A_136 = tpu.memref_squeeze %dma_wait3A_135 : memref<1x128xi32, #tpu.memory_space<vmem>> -> memref<128xi32, #tpu.memory_space<vmem>>
        %dma_wait3A_137 = arith.constant 0 : i32
        %dma_wait3A_138 = arith.constant 0 : i32
        %dma_wait3A_139 = tpu.memref_slice %arg8[%dma_wait3A_137, %dma_wait3A_138] : memref<4096x128xf32, #tpu.memory_space<vmem_shared>> -> memref<4096x128xf32, #tpu.memory_space<vmem_shared>>
        tpu.wait_indirect_dma semaphore(%run_scoped3A : memref<!tpu.dma_semaphore, #tpu.memory_space<semaphore_mem>>) src(%arg5 : memref<128x128xf32, #tpu.memory_space<vmem>>) dst(%dma_wait3A_139 : memref<4096x128xf32, #tpu.memory_space<vmem_shared>>)
        tpu.yield
      }) : () -> ()
      %add3A_125 = arith.constant 1 : i32
      %add3A_126 = arith.addi %sub3A_122, %add3A_125 : i32
      "tpu.region"() ({
        %run_scoped3A = tpu.sem_alloc : memref<!tpu.dma_semaphore, #tpu.memory_space<semaphore_mem>>
        %dma_start3A = arith.constant 0 : i32
        %dma_start3A_130 = tpu.memref_slice %arg4[%add3A_126, %dma_start3A] : memref<16x128xi32, #tpu.memory_space<vmem>> -> memref<1x128xi32, #tpu.memory_space<vmem>>
        %dma_start3A_131 = tpu.memref_squeeze %dma_start3A_130 : memref<1x128xi32, #tpu.memory_space<vmem>> -> memref<128xi32, #tpu.memory_space<vmem>>
        %dma_start3A_132 = arith.constant 0 : i32
        %dma_start3A_133 = arith.constant 0 : i32
        %dma_start3A_134 = tpu.memref_slice %arg8[%dma_start3A_132, %dma_start3A_133] : memref<4096x128xf32, #tpu.memory_space<vmem_shared>> -> memref<4096x128xf32, #tpu.memory_space<vmem_shared>>
        tpu.enqueue_indirect_dma source(%arg5 : memref<128x128xf32, #tpu.memory_space<vmem>>) target(%dma_start3A_134 : memref<4096x128xf32, #tpu.memory_space<vmem_shared>>) offsets(%dma_start3A_131 : memref<128xi32, #tpu.memory_space<vmem>>) semaphore(%run_scoped3A : memref<!tpu.dma_semaphore, #tpu.memory_space<semaphore_mem>>) {add = true}
        %dma_wait3A = arith.constant 0 : i32
        %dma_wait3A_135 = tpu.memref_slice %arg4[%add3A_126, %dma_wait3A] : memref<16x128xi32, #tpu.memory_space<vmem>> -> memref<1x128xi32, #tpu.memory_space<vmem>>
        %dma_wait3A_136 = tpu.memref_squeeze %dma_wait3A_135 : memref<1x128xi32, #tpu.memory_space<vmem>> -> memref<128xi32, #tpu.memory_space<vmem>>
        %dma_wait3A_137 = arith.constant 0 : i32
        %dma_wait3A_138 = arith.constant 0 : i32
        %dma_wait3A_139 = tpu.memref_slice %arg8[%dma_wait3A_137, %dma_wait3A_138] : memref<4096x128xf32, #tpu.memory_space<vmem_shared>> -> memref<4096x128xf32, #tpu.memory_space<vmem_shared>>
        tpu.wait_indirect_dma semaphore(%run_scoped3A : memref<!tpu.dma_semaphore, #tpu.memory_space<semaphore_mem>>) src(%arg5 : memref<128x128xf32, #tpu.memory_space<vmem>>) dst(%dma_wait3A_139 : memref<4096x128xf32, #tpu.memory_space<vmem_shared>>)
        tpu.yield
      }) : () -> ()
      %add3A_127 = arith.constant 2 : i32
      %add3A_128 = arith.addi %sub3A_122, %add3A_127 : i32
      "tpu.region"() ({
        %run_scoped3A = tpu.sem_alloc : memref<!tpu.dma_semaphore, #tpu.memory_space<semaphore_mem>>
        %dma_start3A = arith.constant 0 : i32
        %dma_start3A_130 = tpu.memref_slice %arg4[%add3A_128, %dma_start3A] : memref<16x128xi32, #tpu.memory_space<vmem>> -> memref<1x128xi32, #tpu.memory_space<vmem>>
        %dma_start3A_131 = tpu.memref_squeeze %dma_start3A_130 : memref<1x128xi32, #tpu.memory_space<vmem>> -> memref<128xi32, #tpu.memory_space<vmem>>
        %dma_start3A_132 = arith.constant 0 : i32
        %dma_start3A_133 = arith.constant 0 : i32
        %dma_start3A_134 = tpu.memref_slice %arg8[%dma_start3A_132, %dma_start3A_133] : memref<4096x128xf32, #tpu.memory_space<vmem_shared>> -> memref<4096x128xf32, #tpu.memory_space<vmem_shared>>
        tpu.enqueue_indirect_dma source(%arg5 : memref<128x128xf32, #tpu.memory_space<vmem>>) target(%dma_start3A_134 : memref<4096x128xf32, #tpu.memory_space<vmem_shared>>) offsets(%dma_start3A_131 : memref<128xi32, #tpu.memory_space<vmem>>) semaphore(%run_scoped3A : memref<!tpu.dma_semaphore, #tpu.memory_space<semaphore_mem>>) {add = true}
        %dma_wait3A = arith.constant 0 : i32
        %dma_wait3A_135 = tpu.memref_slice %arg4[%add3A_128, %dma_wait3A] : memref<16x128xi32, #tpu.memory_space<vmem>> -> memref<1x128xi32, #tpu.memory_space<vmem>>
        %dma_wait3A_136 = tpu.memref_squeeze %dma_wait3A_135 : memref<1x128xi32, #tpu.memory_space<vmem>> -> memref<128xi32, #tpu.memory_space<vmem>>
        %dma_wait3A_137 = arith.constant 0 : i32
        %dma_wait3A_138 = arith.constant 0 : i32
        %dma_wait3A_139 = tpu.memref_slice %arg8[%dma_wait3A_137, %dma_wait3A_138] : memref<4096x128xf32, #tpu.memory_space<vmem_shared>> -> memref<4096x128xf32, #tpu.memory_space<vmem_shared>>
        tpu.wait_indirect_dma semaphore(%run_scoped3A : memref<!tpu.dma_semaphore, #tpu.memory_space<semaphore_mem>>) src(%arg5 : memref<128x128xf32, #tpu.memory_space<vmem>>) dst(%dma_wait3A_139 : memref<4096x128xf32, #tpu.memory_space<vmem_shared>>)
        tpu.yield
      }) : () -> ()
      %while3A_129 = arith.constant 0 : i32
      scf.yield %while3A_129 : i32
    }
    %jit3A_53 = arith.constant 3 : i32
    %eq3A = arith.constant 0 : i32
    %eq3A_54 = arith.cmpi eq, %jit3A_53, %eq3A : i32
    %jit3A_55 = arith.constant 1 : i32
    %select_n3A_56 = arith.select %eq3A_54, %jit3A_55, %jit3A_53 : i32
    %rem3A_57 = arith.remsi %add3A_19, %select_n3A_56 : i32
    %ne3A_58 = arith.constant 0 : i32
    %ne3A_59 = arith.cmpi ne, %rem3A_57, %ne3A_58 : i32
    %lt3A_60 = arith.constant 0 : i32
    %lt3A_61 = arith.cmpi slt, %rem3A_57, %lt3A_60 : i32
    %lt3A_62 = arith.constant 0 : i32
    %lt3A_63 = arith.cmpi slt, %select_n3A_56, %lt3A_62 : i32
    %ne3A_64 = arith.xori %lt3A_61, %lt3A_63 : i1
    %and3A_65 = arith.andi %ne3A_64, %ne3A_59 : i1
    %add3A_66 = arith.addi %rem3A_57, %select_n3A_56 : i32
    %select_n3A_67 = arith.select %and3A_65, %add3A_66, %rem3A_57 : i32
    %while3A_68 = arith.constant 0 : i32
    %while3A_69 = arith.constant 0 : i32
    %while3A_70 = arith.subi %select_n3A_67, %while3A_68 : i32
    %while3A_71 = arith.addi %while3A_68, %while3A_70 : i32
    %while3A_72 = arith.constant 1 : i32
    %while3A_73 = arith.divsi %while3A_70, %while3A_72 : i32
    %while3A_74 = arith.muli %while3A_73, %while3A_72 : i32
    %while3A_75 = arith.addi %while3A_68, %while3A_74 : i32
    %while3A_76 = arith.constant 1 : i32
    %while3A_77 = scf.for %while3A_91 = %while3A_68 to %while3A_75 step %while3A_76 iter_args(%while3A_92 = %while3A_69) -> (i32)  : i32 {
      %jit3A_93 = arith.constant 3 : i32
      %div3A_94 = arith.divsi %add3A_19, %jit3A_93 : i32
      %sign3A_95 = arith.constant 0 : i32
      %sign3A_96 = arith.cmpi sgt, %add3A_19, %sign3A_95 : i32
      %sign3A_97 = arith.extui %sign3A_96 : i1 to i32
      %sign3A_98 = arith.constant 0 : i32
      %sign3A_99 = arith.cmpi slt, %add3A_19, %sign3A_98 : i32
      %sign3A_100 = arith.extui %sign3A_99 : i1 to i32
      %sign3A_101 = arith.subi %sign3A_97, %sign3A_100 : i32
      %sign3A_102 = arith.constant 0 : i32
      %sign3A_103 = arith.cmpi sgt, %jit3A_93, %sign3A_102 : i32
      %sign3A_104 = arith.extui %sign3A_103 : i1 to i32
      %sign3A_105 = arith.constant 0 : i32
      %sign3A_106 = arith.cmpi slt, %jit3A_93, %sign3A_105 : i32
      %sign3A_107 = arith.extui %sign3A_106 : i1 to i32
      %sign3A_108 = arith.subi %sign3A_104, %sign3A_107 : i32
      %ne3A_109 = arith.cmpi ne, %sign3A_101, %sign3A_108 : i32
      %rem3A_110 = arith.remsi %add3A_19, %jit3A_93 : i32
      %ne3A_111 = arith.constant 0 : i32
      %ne3A_112 = arith.cmpi ne, %rem3A_110, %ne3A_111 : i32
      %and3A_113 = arith.andi %ne3A_109, %ne3A_112 : i1
      %sub3A_114 = arith.constant 1 : i32
      %sub3A_115 = arith.subi %div3A_94, %sub3A_114 : i32
      %select_n3A_116 = arith.select %and3A_113, %sub3A_115, %div3A_94 : i32
      %mul3A_117 = arith.constant 3 : i32
      %mul3A_118 = arith.muli %select_n3A_116, %mul3A_117 : i32
      %add3A_119 = arith.addi %add3A_23, %mul3A_118 : i32
      %add3A_120 = arith.addi %add3A_119, %while3A_91 : i32
      %jit3A_121 = arith.constant 8 : i32
      %div3A_122 = arith.divsi %add3A_120, %jit3A_121 : i32
      %sign3A_123 = arith.constant 0 : i32
      %sign3A_124 = arith.cmpi sgt, %add3A_120, %sign3A_123 : i32
      %sign3A_125 = arith.extui %sign3A_124 : i1 to i32
      %sign3A_126 = arith.constant 0 : i32
      %sign3A_127 = arith.cmpi slt, %add3A_120, %sign3A_126 : i32
      %sign3A_128 = arith.extui %sign3A_127 : i1 to i32
      %sign3A_129 = arith.subi %sign3A_125, %sign3A_128 : i32
      %sign3A_130 = arith.constant 0 : i32
      %sign3A_131 = arith.cmpi sgt, %jit3A_121, %sign3A_130 : i32
      %sign3A_132 = arith.extui %sign3A_131 : i1 to i32
      %sign3A_133 = arith.constant 0 : i32
      %sign3A_134 = arith.cmpi slt, %jit3A_121, %sign3A_133 : i32
      %sign3A_135 = arith.extui %sign3A_134 : i1 to i32
      %sign3A_136 = arith.subi %sign3A_132, %sign3A_135 : i32
      %ne3A_137 = arith.cmpi ne, %sign3A_129, %sign3A_136 : i32
      %rem3A_138 = arith.remsi %add3A_120, %jit3A_121 : i32
      %ne3A_139 = arith.constant 0 : i32
      %ne3A_140 = arith.cmpi ne, %rem3A_138, %ne3A_139 : i32
      %and3A_141 = arith.andi %ne3A_137, %ne3A_140 : i1
      %sub3A_142 = arith.constant 1 : i32
      %sub3A_143 = arith.subi %div3A_122, %sub3A_142 : i32
      %select_n3A_144 = arith.select %and3A_141, %sub3A_143, %div3A_122 : i32
      %mul3A_145 = arith.constant 8 : i32
      %mul3A_146 = arith.muli %select_n3A_144, %mul3A_145 : i32
      %sub3A_147 = arith.subi %add3A_120, %mul3A_146 : i32
      "tpu.region"() ({
        %run_scoped3A = tpu.sem_alloc : memref<!tpu.dma_semaphore, #tpu.memory_space<semaphore_mem>>
        %dma_start3A = arith.constant 0 : i32
        %dma_start3A_149 = tpu.memref_slice %arg2[%mul3A_146, %dma_start3A] : memref<2516x128xi32, #tpu.memory_space<hbm>> -> memref<16x128xi32, #tpu.memory_space<hbm>>
        %dma_start3A_150 = arith.constant 0 : i32
        %dma_start3A_151 = tpu.memref_slice %arg2[%mul3A_146, %dma_start3A_150] : memref<2516x128xi32, #tpu.memory_space<hbm>> -> memref<16x128xi32, #tpu.memory_space<hbm>>
        tpu.enqueue_dma source(%dma_start3A_151 : memref<16x128xi32, #tpu.memory_space<hbm>>) target(%arg4 : memref<16x128xi32, #tpu.memory_space<vmem>>) target_semaphore(%run_scoped3A : memref<!tpu.dma_semaphore, #tpu.memory_space<semaphore_mem>>)
        %dma_wait3A = arith.constant 0 : i32
        %dma_wait3A_152 = tpu.memref_slice %arg2[%mul3A_146, %dma_wait3A] : memref<2516x128xi32, #tpu.memory_space<hbm>> -> memref<16x128xi32, #tpu.memory_space<hbm>>
        %dma_wait3A_153 = arith.constant 0 : i32
        %dma_wait3A_154 = tpu.memref_slice %arg2[%mul3A_146, %dma_wait3A_153] : memref<2516x128xi32, #tpu.memory_space<hbm>> -> memref<16x128xi32, #tpu.memory_space<hbm>>
        tpu.wait_dma2 semaphore(%run_scoped3A : memref<!tpu.dma_semaphore, #tpu.memory_space<semaphore_mem>>) src(%dma_wait3A_154 : memref<16x128xi32, #tpu.memory_space<hbm>>) dst(%arg4 : memref<16x128xi32, #tpu.memory_space<vmem>>)
        tpu.yield
      }) : () -> ()
      "tpu.region"() ({
        %run_scoped3A = tpu.sem_alloc : memref<!tpu.dma_semaphore, #tpu.memory_space<semaphore_mem>>
        %dma_start3A = arith.constant 0 : i32
        %dma_start3A_149 = tpu.memref_slice %arg4[%sub3A_147, %dma_start3A] : memref<16x128xi32, #tpu.memory_space<vmem>> -> memref<1x128xi32, #tpu.memory_space<vmem>>
        %dma_start3A_150 = tpu.memref_squeeze %dma_start3A_149 : memref<1x128xi32, #tpu.memory_space<vmem>> -> memref<128xi32, #tpu.memory_space<vmem>>
        %dma_start3A_151 = arith.constant 0 : i32
        %dma_start3A_152 = arith.constant 0 : i32
        %dma_start3A_153 = tpu.memref_slice %arg8[%dma_start3A_151, %dma_start3A_152] : memref<4096x128xf32, #tpu.memory_space<vmem_shared>> -> memref<4096x128xf32, #tpu.memory_space<vmem_shared>>
        tpu.enqueue_indirect_dma source(%arg5 : memref<128x128xf32, #tpu.memory_space<vmem>>) target(%dma_start3A_153 : memref<4096x128xf32, #tpu.memory_space<vmem_shared>>) offsets(%dma_start3A_150 : memref<128xi32, #tpu.memory_space<vmem>>) semaphore(%run_scoped3A : memref<!tpu.dma_semaphore, #tpu.memory_space<semaphore_mem>>) {add = true}
        %dma_wait3A = arith.constant 0 : i32
        %dma_wait3A_154 = tpu.memref_slice %arg4[%sub3A_147, %dma_wait3A] : memref<16x128xi32, #tpu.memory_space<vmem>> -> memref<1x128xi32, #tpu.memory_space<vmem>>
        %dma_wait3A_155 = tpu.memref_squeeze %dma_wait3A_154 : memref<1x128xi32, #tpu.memory_space<vmem>> -> memref<128xi32, #tpu.memory_space<vmem>>
        %dma_wait3A_156 = arith.constant 0 : i32
        %dma_wait3A_157 = arith.constant 0 : i32
        %dma_wait3A_158 = tpu.memref_slice %arg8[%dma_wait3A_156, %dma_wait3A_157] : memref<4096x128xf32, #tpu.memory_space<vmem_shared>> -> memref<4096x128xf32, #tpu.memory_space<vmem_shared>>
        tpu.wait_indirect_dma semaphore(%run_scoped3A : memref<!tpu.dma_semaphore, #tpu.memory_space<semaphore_mem>>) src(%arg5 : memref<128x128xf32, #tpu.memory_space<vmem>>) dst(%dma_wait3A_158 : memref<4096x128xf32, #tpu.memory_space<vmem_shared>>)
        tpu.yield
      }) : () -> ()
      %while3A_148 = arith.constant 0 : i32
      scf.yield %while3A_148 : i32
    }
    %while3A_78 = arith.constant 1 : i32
    %while3A_79 = scf.for %while3A_91 = %while3A_75 to %while3A_71 step %while3A_78 iter_args(%while3A_92 = %while3A_77) -> (i32)  : i32 {
      %jit3A_93 = arith.constant 3 : i32
      %div3A_94 = arith.divsi %add3A_19, %jit3A_93 : i32
      %sign3A_95 = arith.constant 0 : i32
      %sign3A_96 = arith.cmpi sgt, %add3A_19, %sign3A_95 : i32
      %sign3A_97 = arith.extui %sign3A_96 : i1 to i32
      %sign3A_98 = arith.constant 0 : i32
      %sign3A_99 = arith.cmpi slt, %add3A_19, %sign3A_98 : i32
      %sign3A_100 = arith.extui %sign3A_99 : i1 to i32
      %sign3A_101 = arith.subi %sign3A_97, %sign3A_100 : i32
      %sign3A_102 = arith.constant 0 : i32
      %sign3A_103 = arith.cmpi sgt, %jit3A_93, %sign3A_102 : i32
      %sign3A_104 = arith.extui %sign3A_103 : i1 to i32
      %sign3A_105 = arith.constant 0 : i32
      %sign3A_106 = arith.cmpi slt, %jit3A_93, %sign3A_105 : i32
      %sign3A_107 = arith.extui %sign3A_106 : i1 to i32
      %sign3A_108 = arith.subi %sign3A_104, %sign3A_107 : i32
      %ne3A_109 = arith.cmpi ne, %sign3A_101, %sign3A_108 : i32
      %rem3A_110 = arith.remsi %add3A_19, %jit3A_93 : i32
      %ne3A_111 = arith.constant 0 : i32
      %ne3A_112 = arith.cmpi ne, %rem3A_110, %ne3A_111 : i32
      %and3A_113 = arith.andi %ne3A_109, %ne3A_112 : i1
      %sub3A_114 = arith.constant 1 : i32
      %sub3A_115 = arith.subi %div3A_94, %sub3A_114 : i32
      %select_n3A_116 = arith.select %and3A_113, %sub3A_115, %div3A_94 : i32
      %mul3A_117 = arith.constant 3 : i32
      %mul3A_118 = arith.muli %select_n3A_116, %mul3A_117 : i32
      %add3A_119 = arith.addi %add3A_23, %mul3A_118 : i32
      %add3A_120 = arith.addi %add3A_119, %while3A_91 : i32
      %jit3A_121 = arith.constant 8 : i32
      %div3A_122 = arith.divsi %add3A_120, %jit3A_121 : i32
      %sign3A_123 = arith.constant 0 : i32
      %sign3A_124 = arith.cmpi sgt, %add3A_120, %sign3A_123 : i32
      %sign3A_125 = arith.extui %sign3A_124 : i1 to i32
      %sign3A_126 = arith.constant 0 : i32
      %sign3A_127 = arith.cmpi slt, %add3A_120, %sign3A_126 : i32
      %sign3A_128 = arith.extui %sign3A_127 : i1 to i32
      %sign3A_129 = arith.subi %sign3A_125, %sign3A_128 : i32
      %sign3A_130 = arith.constant 0 : i32
      %sign3A_131 = arith.cmpi sgt, %jit3A_121, %sign3A_130 : i32
      %sign3A_132 = arith.extui %sign3A_131 : i1 to i32
      %sign3A_133 = arith.constant 0 : i32
      %sign3A_134 = arith.cmpi slt, %jit3A_121, %sign3A_133 : i32
      %sign3A_135 = arith.extui %sign3A_134 : i1 to i32
      %sign3A_136 = arith.subi %sign3A_132, %sign3A_135 : i32
      %ne3A_137 = arith.cmpi ne, %sign3A_129, %sign3A_136 : i32
      %rem3A_138 = arith.remsi %add3A_120, %jit3A_121 : i32
      %ne3A_139 = arith.constant 0 : i32
      %ne3A_140 = arith.cmpi ne, %rem3A_138, %ne3A_139 : i32
      %and3A_141 = arith.andi %ne3A_137, %ne3A_140 : i1
      %sub3A_142 = arith.constant 1 : i32
      %sub3A_143 = arith.subi %div3A_122, %sub3A_142 : i32
      %select_n3A_144 = arith.select %and3A_141, %sub3A_143, %div3A_122 : i32
      %mul3A_145 = arith.constant 8 : i32
      %mul3A_146 = arith.muli %select_n3A_144, %mul3A_145 : i32
      %sub3A_147 = arith.subi %add3A_120, %mul3A_146 : i32
      "tpu.region"() ({
        %run_scoped3A = tpu.sem_alloc : memref<!tpu.dma_semaphore, #tpu.memory_space<semaphore_mem>>
        %dma_start3A = arith.constant 0 : i32
        %dma_start3A_149 = tpu.memref_slice %arg2[%mul3A_146, %dma_start3A] : memref<2516x128xi32, #tpu.memory_space<hbm>> -> memref<16x128xi32, #tpu.memory_space<hbm>>
        %dma_start3A_150 = arith.constant 0 : i32
        %dma_start3A_151 = tpu.memref_slice %arg2[%mul3A_146, %dma_start3A_150] : memref<2516x128xi32, #tpu.memory_space<hbm>> -> memref<16x128xi32, #tpu.memory_space<hbm>>
        tpu.enqueue_dma source(%dma_start3A_151 : memref<16x128xi32, #tpu.memory_space<hbm>>) target(%arg4 : memref<16x128xi32, #tpu.memory_space<vmem>>) target_semaphore(%run_scoped3A : memref<!tpu.dma_semaphore, #tpu.memory_space<semaphore_mem>>)
        %dma_wait3A = arith.constant 0 : i32
        %dma_wait3A_152 = tpu.memref_slice %arg2[%mul3A_146, %dma_wait3A] : memref<2516x128xi32, #tpu.memory_space<hbm>> -> memref<16x128xi32, #tpu.memory_space<hbm>>
        %dma_wait3A_153 = arith.constant 0 : i32
        %dma_wait3A_154 = tpu.memref_slice %arg2[%mul3A_146, %dma_wait3A_153] : memref<2516x128xi32, #tpu.memory_space<hbm>> -> memref<16x128xi32, #tpu.memory_space<hbm>>
        tpu.wait_dma2 semaphore(%run_scoped3A : memref<!tpu.dma_semaphore, #tpu.memory_space<semaphore_mem>>) src(%dma_wait3A_154 : memref<16x128xi32, #tpu.memory_space<hbm>>) dst(%arg4 : memref<16x128xi32, #tpu.memory_space<vmem>>)
        tpu.yield
      }) : () -> ()
      "tpu.region"() ({
        %run_scoped3A = tpu.sem_alloc : memref<!tpu.dma_semaphore, #tpu.memory_space<semaphore_mem>>
        %dma_start3A = arith.constant 0 : i32
        %dma_start3A_149 = tpu.memref_slice %arg4[%sub3A_147, %dma_start3A] : memref<16x128xi32, #tpu.memory_space<vmem>> -> memref<1x128xi32, #tpu.memory_space<vmem>>
        %dma_start3A_150 = tpu.memref_squeeze %dma_start3A_149 : memref<1x128xi32, #tpu.memory_space<vmem>> -> memref<128xi32, #tpu.memory_space<vmem>>
        %dma_start3A_151 = arith.constant 0 : i32
        %dma_start3A_152 = arith.constant 0 : i32
        %dma_start3A_153 = tpu.memref_slice %arg8[%dma_start3A_151, %dma_start3A_152] : memref<4096x128xf32, #tpu.memory_space<vmem_shared>> -> memref<4096x128xf32, #tpu.memory_space<vmem_shared>>
        tpu.enqueue_indirect_dma source(%arg5 : memref<128x128xf32, #tpu.memory_space<vmem>>) target(%dma_start3A_153 : memref<4096x128xf32, #tpu.memory_space<vmem_shared>>) offsets(%dma_start3A_150 : memref<128xi32, #tpu.memory_space<vmem>>) semaphore(%run_scoped3A : memref<!tpu.dma_semaphore, #tpu.memory_space<semaphore_mem>>) {add = true}
        %dma_wait3A = arith.constant 0 : i32
        %dma_wait3A_154 = tpu.memref_slice %arg4[%sub3A_147, %dma_wait3A] : memref<16x128xi32, #tpu.memory_space<vmem>> -> memref<1x128xi32, #tpu.memory_space<vmem>>
        %dma_wait3A_155 = tpu.memref_squeeze %dma_wait3A_154 : memref<1x128xi32, #tpu.memory_space<vmem>> -> memref<128xi32, #tpu.memory_space<vmem>>
        %dma_wait3A_156 = arith.constant 0 : i32
        %dma_wait3A_157 = arith.constant 0 : i32
        %dma_wait3A_158 = tpu.memref_slice %arg8[%dma_wait3A_156, %dma_wait3A_157] : memref<4096x128xf32, #tpu.memory_space<vmem_shared>> -> memref<4096x128xf32, #tpu.memory_space<vmem_shared>>
        tpu.wait_indirect_dma semaphore(%run_scoped3A : memref<!tpu.dma_semaphore, #tpu.memory_space<semaphore_mem>>) src(%arg5 : memref<128x128xf32, #tpu.memory_space<vmem>>) dst(%dma_wait3A_158 : memref<4096x128xf32, #tpu.memory_space<vmem_shared>>)
        tpu.yield
      }) : () -> ()
      %while3A_148 = arith.constant 0 : i32
      scf.yield %while3A_148 : i32
    }
    %barrier3A_80 = arith.constant 0 : index
    tpu.barrier barrier_id(%barrier3A_80)
    "tpu.region"() ({
      %run_scoped3A = tpu.sem_alloc : memref<!tpu.dma_semaphore, #tpu.memory_space<semaphore_mem>>
      %dma_start3A = arith.constant 0 : i32
      %dma_start3A_91 = tpu.memref_slice %arg8[%mul3A_15, %dma_start3A] : memref<4096x128xf32, #tpu.memory_space<vmem_shared>> -> memref<256x128xf32, #tpu.memory_space<vmem_shared>>
      %dma_start3A_92 = arith.constant 0 : i32
      %dma_start3A_93 = tpu.memref_slice %arg8[%mul3A_15, %dma_start3A_92] : memref<4096x128xf32, #tpu.memory_space<vmem_shared>> -> memref<256x128xf32, #tpu.memory_space<vmem_shared>>
      tpu.enqueue_dma source(%dma_start3A_93 : memref<256x128xf32, #tpu.memory_space<vmem_shared>>) target(%arg6 : memref<256x128xf32, #tpu.memory_space<vmem>>) target_semaphore(%run_scoped3A : memref<!tpu.dma_semaphore, #tpu.memory_space<semaphore_mem>>)
      %dma_wait3A = arith.constant 0 : i32
      %dma_wait3A_94 = tpu.memref_slice %arg8[%mul3A_15, %dma_wait3A] : memref<4096x128xf32, #tpu.memory_space<vmem_shared>> -> memref<256x128xf32, #tpu.memory_space<vmem_shared>>
      %dma_wait3A_95 = arith.constant 0 : i32
      %dma_wait3A_96 = tpu.memref_slice %arg8[%mul3A_15, %dma_wait3A_95] : memref<4096x128xf32, #tpu.memory_space<vmem_shared>> -> memref<256x128xf32, #tpu.memory_space<vmem_shared>>
      tpu.wait_dma2 semaphore(%run_scoped3A : memref<!tpu.dma_semaphore, #tpu.memory_space<semaphore_mem>>) src(%dma_wait3A_96 : memref<256x128xf32, #tpu.memory_space<vmem_shared>>) dst(%arg6 : memref<256x128xf32, #tpu.memory_space<vmem>>)
      tpu.yield
    }) : () -> ()
    %iota3A = tpu.iota {dimensions = array<i32: 0>} : vector<16xi32>
    %scan3A_81 = arith.constant 0 : i32
    %scan3A_82 = arith.constant 0 : i32
    %scan3A_83 = arith.constant 16 : i32
    %scan3A_84 = arith.addi %scan3A_82, %scan3A_83 : i32
    %scan3A_85 = arith.constant 1 : i32
    %scan3A_86 = scf.for %scan3A_91 = %scan3A_82 to %scan3A_84 step %scan3A_85 iter_args(%scan3A_92 = %scan3A_81) -> (i32)  : i32 {
      %broadcast_in_dim3A = arith.constant 0.000000e+00 : f32
      %broadcast_in_dim3A_93 = vector.broadcast %broadcast_in_dim3A : f32 to vector<16xf32>
      %eq3A_94 = arith.constant 0 : i32
      %eq3A_95 = vector.broadcast %eq3A_94 : i32 to vector<16xi32>
      %eq3A_96 = arith.cmpi eq, %iota3A, %eq3A_95 : vector<16xi32>
      %mul3A_97 = arith.constant 16 : i32
      %mul3A_98 = arith.muli %scan3A_91, %mul3A_97 : i32
      %add3A_99 = arith.constant 0 : i32
      %add3A_100 = arith.addi %mul3A_98, %add3A_99 : i32
      %get3A = arith.index_cast %add3A_100 : i32 to index
      %get3A_101 = arith.constant 0 : index
      %get3A_102 = tpu.vector_load %arg6[%get3A, %get3A_101] {strides = array<i32>} : memref<256x128xf32, #tpu.memory_space<vmem>>, vector<1x16xf32>,
      %get3A_103 = vector.shape_cast %get3A_102 : vector<1x16xf32> to vector<16xf32>
      %select_n3A_104 = arith.select %eq3A_96, %get3A_103, %broadcast_in_dim3A_93 : vector<16xi1>, vector<16xf32>
      %eq3A_105 = arith.constant 1 : i32
      %eq3A_106 = vector.broadcast %eq3A_105 : i32 to vector<16xi32>
      %eq3A_107 = arith.cmpi eq, %iota3A, %eq3A_106 : vector<16xi32>
      %mul3A_108 = arith.constant 16 : i32
      %mul3A_109 = arith.muli %scan3A_91, %mul3A_108 : i32
      %add3A_110 = arith.constant 1 : i32
      %add3A_111 = arith.addi %mul3A_109, %add3A_110 : i32
      %get3A_112 = arith.index_cast %add3A_111 : i32 to index
      %get3A_113 = arith.constant 0 : index
      %get3A_114 = tpu.vector_load %arg6[%get3A_112, %get3A_113] {strides = array<i32>} : memref<256x128xf32, #tpu.memory_space<vmem>>, vector<1x16xf32>,
      %get3A_115 = vector.shape_cast %get3A_114 : vector<1x16xf32> to vector<16xf32>
      %select_n3A_116 = arith.select %eq3A_107, %get3A_115, %select_n3A_104 : vector<16xi1>, vector<16xf32>
      %eq3A_117 = arith.constant 2 : i32
      %eq3A_118 = vector.broadcast %eq3A_117 : i32 to vector<16xi32>
      %eq3A_119 = arith.cmpi eq, %iota3A, %eq3A_118 : vector<16xi32>
      %mul3A_120 = arith.constant 16 : i32
      %mul3A_121 = arith.muli %scan3A_91, %mul3A_120 : i32
      %add3A_122 = arith.constant 2 : i32
      %add3A_123 = arith.addi %mul3A_121, %add3A_122 : i32
      %get3A_124 = arith.index_cast %add3A_123 : i32 to index
      %get3A_125 = arith.constant 0 : index
      %get3A_126 = tpu.vector_load %arg6[%get3A_124, %get3A_125] {strides = array<i32>} : memref<256x128xf32, #tpu.memory_space<vmem>>, vector<1x16xf32>,
      %get3A_127 = vector.shape_cast %get3A_126 : vector<1x16xf32> to vector<16xf32>
      %select_n3A_128 = arith.select %eq3A_119, %get3A_127, %select_n3A_116 : vector<16xi1>, vector<16xf32>
      %eq3A_129 = arith.constant 3 : i32
      %eq3A_130 = vector.broadcast %eq3A_129 : i32 to vector<16xi32>
      %eq3A_131 = arith.cmpi eq, %iota3A, %eq3A_130 : vector<16xi32>
      %mul3A_132 = arith.constant 16 : i32
      %mul3A_133 = arith.muli %scan3A_91, %mul3A_132 : i32
      %add3A_134 = arith.constant 3 : i32
      %add3A_135 = arith.addi %mul3A_133, %add3A_134 : i32
      %get3A_136 = arith.index_cast %add3A_135 : i32 to index
      %get3A_137 = arith.constant 0 : index
      %get3A_138 = tpu.vector_load %arg6[%get3A_136, %get3A_137] {strides = array<i32>} : memref<256x128xf32, #tpu.memory_space<vmem>>, vector<1x16xf32>,
      %get3A_139 = vector.shape_cast %get3A_138 : vector<1x16xf32> to vector<16xf32>
      %select_n3A_140 = arith.select %eq3A_131, %get3A_139, %select_n3A_128 : vector<16xi1>, vector<16xf32>
      %eq3A_141 = arith.constant 4 : i32
      %eq3A_142 = vector.broadcast %eq3A_141 : i32 to vector<16xi32>
      %eq3A_143 = arith.cmpi eq, %iota3A, %eq3A_142 : vector<16xi32>
      %mul3A_144 = arith.constant 16 : i32
      %mul3A_145 = arith.muli %scan3A_91, %mul3A_144 : i32
      %add3A_146 = arith.constant 4 : i32
      %add3A_147 = arith.addi %mul3A_145, %add3A_146 : i32
      %get3A_148 = arith.index_cast %add3A_147 : i32 to index
      %get3A_149 = arith.constant 0 : index
      %get3A_150 = tpu.vector_load %arg6[%get3A_148, %get3A_149] {strides = array<i32>} : memref<256x128xf32, #tpu.memory_space<vmem>>, vector<1x16xf32>,
      %get3A_151 = vector.shape_cast %get3A_150 : vector<1x16xf32> to vector<16xf32>
      %select_n3A_152 = arith.select %eq3A_143, %get3A_151, %select_n3A_140 : vector<16xi1>, vector<16xf32>
      %eq3A_153 = arith.constant 5 : i32
      %eq3A_154 = vector.broadcast %eq3A_153 : i32 to vector<16xi32>
      %eq3A_155 = arith.cmpi eq, %iota3A, %eq3A_154 : vector<16xi32>
      %mul3A_156 = arith.constant 16 : i32
      %mul3A_157 = arith.muli %scan3A_91, %mul3A_156 : i32
      %add3A_158 = arith.constant 5 : i32
      %add3A_159 = arith.addi %mul3A_157, %add3A_158 : i32
      %get3A_160 = arith.index_cast %add3A_159 : i32 to index
      %get3A_161 = arith.constant 0 : index
      %get3A_162 = tpu.vector_load %arg6[%get3A_160, %get3A_161] {strides = array<i32>} : memref<256x128xf32, #tpu.memory_space<vmem>>, vector<1x16xf32>,
      %get3A_163 = vector.shape_cast %get3A_162 : vector<1x16xf32> to vector<16xf32>
      %select_n3A_164 = arith.select %eq3A_155, %get3A_163, %select_n3A_152 : vector<16xi1>, vector<16xf32>
      %eq3A_165 = arith.constant 6 : i32
      %eq3A_166 = vector.broadcast %eq3A_165 : i32 to vector<16xi32>
      %eq3A_167 = arith.cmpi eq, %iota3A, %eq3A_166 : vector<16xi32>
      %mul3A_168 = arith.constant 16 : i32
      %mul3A_169 = arith.muli %scan3A_91, %mul3A_168 : i32
      %add3A_170 = arith.constant 6 : i32
      %add3A_171 = arith.addi %mul3A_169, %add3A_170 : i32
      %get3A_172 = arith.index_cast %add3A_171 : i32 to index
      %get3A_173 = arith.constant 0 : index
      %get3A_174 = tpu.vector_load %arg6[%get3A_172, %get3A_173] {strides = array<i32>} : memref<256x128xf32, #tpu.memory_space<vmem>>, vector<1x16xf32>,
      %get3A_175 = vector.shape_cast %get3A_174 : vector<1x16xf32> to vector<16xf32>
      %select_n3A_176 = arith.select %eq3A_167, %get3A_175, %select_n3A_164 : vector<16xi1>, vector<16xf32>
      %eq3A_177 = arith.constant 7 : i32
      %eq3A_178 = vector.broadcast %eq3A_177 : i32 to vector<16xi32>
      %eq3A_179 = arith.cmpi eq, %iota3A, %eq3A_178 : vector<16xi32>
      %mul3A_180 = arith.constant 16 : i32
      %mul3A_181 = arith.muli %scan3A_91, %mul3A_180 : i32
      %add3A_182 = arith.constant 7 : i32
      %add3A_183 = arith.addi %mul3A_181, %add3A_182 : i32
      %get3A_184 = arith.index_cast %add3A_183 : i32 to index
      %get3A_185 = arith.constant 0 : index
      %get3A_186 = tpu.vector_load %arg6[%get3A_184, %get3A_185] {strides = array<i32>} : memref<256x128xf32, #tpu.memory_space<vmem>>, vector<1x16xf32>,
      %get3A_187 = vector.shape_cast %get3A_186 : vector<1x16xf32> to vector<16xf32>
      %select_n3A_188 = arith.select %eq3A_179, %get3A_187, %select_n3A_176 : vector<16xi1>, vector<16xf32>
      %eq3A_189 = arith.constant 8 : i32
      %eq3A_190 = vector.broadcast %eq3A_189 : i32 to vector<16xi32>
      %eq3A_191 = arith.cmpi eq, %iota3A, %eq3A_190 : vector<16xi32>
      %mul3A_192 = arith.constant 16 : i32
      %mul3A_193 = arith.muli %scan3A_91, %mul3A_192 : i32
      %add3A_194 = arith.constant 8 : i32
      %add3A_195 = arith.addi %mul3A_193, %add3A_194 : i32
      %get3A_196 = arith.index_cast %add3A_195 : i32 to index
      %get3A_197 = arith.constant 0 : index
      %get3A_198 = tpu.vector_load %arg6[%get3A_196, %get3A_197] {strides = array<i32>} : memref<256x128xf32, #tpu.memory_space<vmem>>, vector<1x16xf32>,
      %get3A_199 = vector.shape_cast %get3A_198 : vector<1x16xf32> to vector<16xf32>
      %select_n3A_200 = arith.select %eq3A_191, %get3A_199, %select_n3A_188 : vector<16xi1>, vector<16xf32>
      %eq3A_201 = arith.constant 9 : i32
      %eq3A_202 = vector.broadcast %eq3A_201 : i32 to vector<16xi32>
      %eq3A_203 = arith.cmpi eq, %iota3A, %eq3A_202 : vector<16xi32>
      %mul3A_204 = arith.constant 16 : i32
      %mul3A_205 = arith.muli %scan3A_91, %mul3A_204 : i32
      %add3A_206 = arith.constant 9 : i32
      %add3A_207 = arith.addi %mul3A_205, %add3A_206 : i32
      %get3A_208 = arith.index_cast %add3A_207 : i32 to index
      %get3A_209 = arith.constant 0 : index
      %get3A_210 = tpu.vector_load %arg6[%get3A_208, %get3A_209] {strides = array<i32>} : memref<256x128xf32, #tpu.memory_space<vmem>>, vector<1x16xf32>,
      %get3A_211 = vector.shape_cast %get3A_210 : vector<1x16xf32> to vector<16xf32>
      %select_n3A_212 = arith.select %eq3A_203, %get3A_211, %select_n3A_200 : vector<16xi1>, vector<16xf32>
      %eq3A_213 = arith.constant 10 : i32
      %eq3A_214 = vector.broadcast %eq3A_213 : i32 to vector<16xi32>
      %eq3A_215 = arith.cmpi eq, %iota3A, %eq3A_214 : vector<16xi32>
      %mul3A_216 = arith.constant 16 : i32
      %mul3A_217 = arith.muli %scan3A_91, %mul3A_216 : i32
      %add3A_218 = arith.constant 10 : i32
      %add3A_219 = arith.addi %mul3A_217, %add3A_218 : i32
      %get3A_220 = arith.index_cast %add3A_219 : i32 to index
      %get3A_221 = arith.constant 0 : index
      %get3A_222 = tpu.vector_load %arg6[%get3A_220, %get3A_221] {strides = array<i32>} : memref<256x128xf32, #tpu.memory_space<vmem>>, vector<1x16xf32>,
      %get3A_223 = vector.shape_cast %get3A_222 : vector<1x16xf32> to vector<16xf32>
      %select_n3A_224 = arith.select %eq3A_215, %get3A_223, %select_n3A_212 : vector<16xi1>, vector<16xf32>
      %eq3A_225 = arith.constant 11 : i32
      %eq3A_226 = vector.broadcast %eq3A_225 : i32 to vector<16xi32>
      %eq3A_227 = arith.cmpi eq, %iota3A, %eq3A_226 : vector<16xi32>
      %mul3A_228 = arith.constant 16 : i32
      %mul3A_229 = arith.muli %scan3A_91, %mul3A_228 : i32
      %add3A_230 = arith.constant 11 : i32
      %add3A_231 = arith.addi %mul3A_229, %add3A_230 : i32
      %get3A_232 = arith.index_cast %add3A_231 : i32 to index
      %get3A_233 = arith.constant 0 : index
      %get3A_234 = tpu.vector_load %arg6[%get3A_232, %get3A_233] {strides = array<i32>} : memref<256x128xf32, #tpu.memory_space<vmem>>, vector<1x16xf32>,
      %get3A_235 = vector.shape_cast %get3A_234 : vector<1x16xf32> to vector<16xf32>
      %select_n3A_236 = arith.select %eq3A_227, %get3A_235, %select_n3A_224 : vector<16xi1>, vector<16xf32>
      %eq3A_237 = arith.constant 12 : i32
      %eq3A_238 = vector.broadcast %eq3A_237 : i32 to vector<16xi32>
      %eq3A_239 = arith.cmpi eq, %iota3A, %eq3A_238 : vector<16xi32>
      %mul3A_240 = arith.constant 16 : i32
      %mul3A_241 = arith.muli %scan3A_91, %mul3A_240 : i32
      %add3A_242 = arith.constant 12 : i32
      %add3A_243 = arith.addi %mul3A_241, %add3A_242 : i32
      %get3A_244 = arith.index_cast %add3A_243 : i32 to index
      %get3A_245 = arith.constant 0 : index
      %get3A_246 = tpu.vector_load %arg6[%get3A_244, %get3A_245] {strides = array<i32>} : memref<256x128xf32, #tpu.memory_space<vmem>>, vector<1x16xf32>,
      %get3A_247 = vector.shape_cast %get3A_246 : vector<1x16xf32> to vector<16xf32>
      %select_n3A_248 = arith.select %eq3A_239, %get3A_247, %select_n3A_236 : vector<16xi1>, vector<16xf32>
      %eq3A_249 = arith.constant 13 : i32
      %eq3A_250 = vector.broadcast %eq3A_249 : i32 to vector<16xi32>
      %eq3A_251 = arith.cmpi eq, %iota3A, %eq3A_250 : vector<16xi32>
      %mul3A_252 = arith.constant 16 : i32
      %mul3A_253 = arith.muli %scan3A_91, %mul3A_252 : i32
      %add3A_254 = arith.constant 13 : i32
      %add3A_255 = arith.addi %mul3A_253, %add3A_254 : i32
      %get3A_256 = arith.index_cast %add3A_255 : i32 to index
      %get3A_257 = arith.constant 0 : index
      %get3A_258 = tpu.vector_load %arg6[%get3A_256, %get3A_257] {strides = array<i32>} : memref<256x128xf32, #tpu.memory_space<vmem>>, vector<1x16xf32>,
      %get3A_259 = vector.shape_cast %get3A_258 : vector<1x16xf32> to vector<16xf32>
      %select_n3A_260 = arith.select %eq3A_251, %get3A_259, %select_n3A_248 : vector<16xi1>, vector<16xf32>
      %eq3A_261 = arith.constant 14 : i32
      %eq3A_262 = vector.broadcast %eq3A_261 : i32 to vector<16xi32>
      %eq3A_263 = arith.cmpi eq, %iota3A, %eq3A_262 : vector<16xi32>
      %mul3A_264 = arith.constant 16 : i32
      %mul3A_265 = arith.muli %scan3A_91, %mul3A_264 : i32
      %add3A_266 = arith.constant 14 : i32
      %add3A_267 = arith.addi %mul3A_265, %add3A_266 : i32
      %get3A_268 = arith.index_cast %add3A_267 : i32 to index
      %get3A_269 = arith.constant 0 : index
      %get3A_270 = tpu.vector_load %arg6[%get3A_268, %get3A_269] {strides = array<i32>} : memref<256x128xf32, #tpu.memory_space<vmem>>, vector<1x16xf32>,
      %get3A_271 = vector.shape_cast %get3A_270 : vector<1x16xf32> to vector<16xf32>
      %select_n3A_272 = arith.select %eq3A_263, %get3A_271, %select_n3A_260 : vector<16xi1>, vector<16xf32>
      %eq3A_273 = arith.constant 15 : i32
      %eq3A_274 = vector.broadcast %eq3A_273 : i32 to vector<16xi32>
      %eq3A_275 = arith.cmpi eq, %iota3A, %eq3A_274 : vector<16xi32>
      %mul3A_276 = arith.constant 16 : i32
      %mul3A_277 = arith.muli %scan3A_91, %mul3A_276 : i32
      %add3A_278 = arith.constant 15 : i32
      %add3A_279 = arith.addi %mul3A_277, %add3A_278 : i32
      %get3A_280 = arith.index_cast %add3A_279 : i32 to index
      %get3A_281 = arith.constant 0 : index
      %get3A_282 = tpu.vector_load %arg6[%get3A_280, %get3A_281] {strides = array<i32>} : memref<256x128xf32, #tpu.memory_space<vmem>>, vector<1x16xf32>,
      %get3A_283 = vector.shape_cast %get3A_282 : vector<1x16xf32> to vector<16xf32>
      %select_n3A_284 = arith.select %eq3A_275, %get3A_283, %select_n3A_272 : vector<16xi1>, vector<16xf32>
      %mul3A_285 = arith.constant 16 : i32
      %mul3A_286 = arith.muli %scan3A_91, %mul3A_285 : i32
      %swap3A = arith.index_cast %mul3A_286 : i32 to index
      %swap3A_287 = tpu.vector_load %arg7[%swap3A] {strides = array<i32>} : memref<256xf32, #tpu.memory_space<vmem>>, vector<16xf32>,
      %swap3A_288 = vector.shape_cast %swap3A_287 : vector<16xf32> to vector<16xf32>
      %swap3A_289 = vector.shape_cast %select_n3A_284 : vector<16xf32> to vector<16xf32>
      tpu.vector_store %arg7[%swap3A], %swap3A_289 {strides = array<i32>} : memref<256xf32, #tpu.memory_space<vmem>>, vector<16xf32>,
      %scan3A_290 = arith.constant 0 : i32
      scf.yield %scan3A_290 : i32
    }
    %scan3A_87 = arith.constant 16 : i32
    %mul3A_88 = arith.constant 4096 : i32
    %mul3A_89 = arith.muli %arg0, %mul3A_88 : i32
    %add3A_90 = arith.addi %mul3A_89, %mul3A_15 : i32
    "tpu.region"() ({
      %run_scoped3A = tpu.sem_alloc : memref<!tpu.dma_semaphore, #tpu.memory_space<semaphore_mem>>
      %dma_start3A = tpu.memref_slice %arg3[%add3A_90] : memref<8192xf32, #tpu.memory_space<hbm>> -> memref<256xf32, #tpu.memory_space<hbm>>
      %dma_start3A_91 = tpu.memref_slice %arg3[%add3A_90] : memref<8192xf32, #tpu.memory_space<hbm>> -> memref<256xf32, #tpu.memory_space<hbm>>
      tpu.enqueue_dma source(%arg7 : memref<256xf32, #tpu.memory_space<vmem>>) target(%dma_start3A_91 : memref<256xf32, #tpu.memory_space<hbm>>) target_semaphore(%run_scoped3A : memref<!tpu.dma_semaphore, #tpu.memory_space<semaphore_mem>>)
      %dma_wait3A = tpu.memref_slice %arg3[%add3A_90] : memref<8192xf32, #tpu.memory_space<hbm>> -> memref<256xf32, #tpu.memory_space<hbm>>
      %dma_wait3A_92 = tpu.memref_slice %arg3[%add3A_90] : memref<8192xf32, #tpu.memory_space<hbm>> -> memref<256xf32, #tpu.memory_space<hbm>>
      tpu.wait_dma2 semaphore(%run_scoped3A : memref<!tpu.dma_semaphore, #tpu.memory_space<semaphore_mem>>) src(%arg7 : memref<256xf32, #tpu.memory_space<vmem>>) dst(%dma_wait3A_92 : memref<256xf32, #tpu.memory_space<hbm>>)
      tpu.yield
    }) : () -> ()
    return
  }
}

#map = affine_map<(d0, d1) -> (0, 0)>
#map1 = affine_map<(d0, d1) -> (0, 0, 0)>
module attributes {stable_mosaic.version = 14 : i64} {
  func.func @k(%arg0: i32, %arg1: i32, %arg2: memref<320000x128xf32, #tpu.memory_space<hbm>>, %arg3: memref<2516x128xi32, #tpu.memory_space<hbm>>, %arg4: memref<2x4096x128xf32, #tpu.memory_space<hbm>>, %arg5: memref<384x128xf32, #tpu.memory_space<vmem>>, %arg6: memref<16x128xi32, #tpu.memory_space<vmem>>, %arg7: memref<4096x128xf32, #tpu.memory_space<vmem_shared>>) attributes {dimension_semantics = [#tpu.dimension_semantics<core_parallel>, #tpu.dimension_semantics<subcore_parallel>], iteration_bounds = array<i64: 2, 16>, scalar_prefetch = 0 : i64, scratch_operands = 3 : i64, tpu.core_type = #tpu.core_type<sc_vector_subcore>, window_params = [{transform_indices = #map}, {transform_indices = #map}, {transform_indices = #map1}]} {
    %mul3A = arith.constant 16 : i32
    %mul3A_0 = arith.muli %arg0, %mul3A : i32
    %add3A = arith.addi %mul3A_0, %arg1 : i32
    %scan3A = arith.constant 0 : i32
    %scan3A_1 = arith.constant 0 : i32
    %scan3A_2 = arith.constant 256 : i32
    %scan3A_3 = arith.addi %scan3A_1, %scan3A_2 : i32
    %scan3A_4 = arith.constant 1 : i32
    %scan3A_5 = scf.for %scan3A_74 = %scan3A_1 to %scan3A_3 step %scan3A_4 iter_args(%scan3A_75 = %scan3A) -> (i32)  : i32 {
      %broadcast_in_dim3A = arith.constant 0.000000e+00 : f32
      %broadcast_in_dim3A_76 = vector.broadcast %broadcast_in_dim3A : f32 to vector<16xf32>
      %swap3A = arith.index_cast %scan3A_74 : i32 to index
      %swap3A_77 = arith.constant 0 : index
      %swap3A_78 = tpu.vector_load %arg5[%swap3A, %swap3A_77] {strides = array<i32>} : memref<384x128xf32, #tpu.memory_space<vmem>>, vector<1x16xf32>,
      %swap3A_79 = vector.shape_cast %swap3A_78 : vector<1x16xf32> to vector<16xf32>
      %swap3A_80 = vector.shape_cast %broadcast_in_dim3A_76 : vector<16xf32> to vector<1x16xf32>
      tpu.vector_store %arg5[%swap3A, %swap3A_77], %swap3A_80 {strides = array<i32>} : memref<384x128xf32, #tpu.memory_space<vmem>>, vector<1x16xf32>,
      %broadcast_in_dim3A_81 = arith.constant 0.000000e+00 : f32
      %broadcast_in_dim3A_82 = vector.broadcast %broadcast_in_dim3A_81 : f32 to vector<16xf32>
      %swap3A_83 = arith.index_cast %scan3A_74 : i32 to index
      %swap3A_84 = arith.constant 16 : index
      %swap3A_85 = tpu.vector_load %arg5[%swap3A_83, %swap3A_84] {strides = array<i32>} : memref<384x128xf32, #tpu.memory_space<vmem>>, vector<1x16xf32>,
      %swap3A_86 = vector.shape_cast %swap3A_85 : vector<1x16xf32> to vector<16xf32>
      %swap3A_87 = vector.shape_cast %broadcast_in_dim3A_82 : vector<16xf32> to vector<1x16xf32>
      tpu.vector_store %arg5[%swap3A_83, %swap3A_84], %swap3A_87 {strides = array<i32>} : memref<384x128xf32, #tpu.memory_space<vmem>>, vector<1x16xf32>,
      %broadcast_in_dim3A_88 = arith.constant 0.000000e+00 : f32
      %broadcast_in_dim3A_89 = vector.broadcast %broadcast_in_dim3A_88 : f32 to vector<16xf32>
      %swap3A_90 = arith.index_cast %scan3A_74 : i32 to index
      %swap3A_91 = arith.constant 32 : index
      %swap3A_92 = tpu.vector_load %arg5[%swap3A_90, %swap3A_91] {strides = array<i32>} : memref<384x128xf32, #tpu.memory_space<vmem>>, vector<1x16xf32>,
      %swap3A_93 = vector.shape_cast %swap3A_92 : vector<1x16xf32> to vector<16xf32>
      %swap3A_94 = vector.shape_cast %broadcast_in_dim3A_89 : vector<16xf32> to vector<1x16xf32>
      tpu.vector_store %arg5[%swap3A_90, %swap3A_91], %swap3A_94 {strides = array<i32>} : memref<384x128xf32, #tpu.memory_space<vmem>>, vector<1x16xf32>,
      %broadcast_in_dim3A_95 = arith.constant 0.000000e+00 : f32
      %broadcast_in_dim3A_96 = vector.broadcast %broadcast_in_dim3A_95 : f32 to vector<16xf32>
      %swap3A_97 = arith.index_cast %scan3A_74 : i32 to index
      %swap3A_98 = arith.constant 48 : index
      %swap3A_99 = tpu.vector_load %arg5[%swap3A_97, %swap3A_98] {strides = array<i32>} : memref<384x128xf32, #tpu.memory_space<vmem>>, vector<1x16xf32>,
      %swap3A_100 = vector.shape_cast %swap3A_99 : vector<1x16xf32> to vector<16xf32>
      %swap3A_101 = vector.shape_cast %broadcast_in_dim3A_96 : vector<16xf32> to vector<1x16xf32>
      tpu.vector_store %arg5[%swap3A_97, %swap3A_98], %swap3A_101 {strides = array<i32>} : memref<384x128xf32, #tpu.memory_space<vmem>>, vector<1x16xf32>,
      %broadcast_in_dim3A_102 = arith.constant 0.000000e+00 : f32
      %broadcast_in_dim3A_103 = vector.broadcast %broadcast_in_dim3A_102 : f32 to vector<16xf32>
      %swap3A_104 = arith.index_cast %scan3A_74 : i32 to index
      %swap3A_105 = arith.constant 64 : index
      %swap3A_106 = tpu.vector_load %arg5[%swap3A_104, %swap3A_105] {strides = array<i32>} : memref<384x128xf32, #tpu.memory_space<vmem>>, vector<1x16xf32>,
      %swap3A_107 = vector.shape_cast %swap3A_106 : vector<1x16xf32> to vector<16xf32>
      %swap3A_108 = vector.shape_cast %broadcast_in_dim3A_103 : vector<16xf32> to vector<1x16xf32>
      tpu.vector_store %arg5[%swap3A_104, %swap3A_105], %swap3A_108 {strides = array<i32>} : memref<384x128xf32, #tpu.memory_space<vmem>>, vector<1x16xf32>,
      %broadcast_in_dim3A_109 = arith.constant 0.000000e+00 : f32
      %broadcast_in_dim3A_110 = vector.broadcast %broadcast_in_dim3A_109 : f32 to vector<16xf32>
      %swap3A_111 = arith.index_cast %scan3A_74 : i32 to index
      %swap3A_112 = arith.constant 80 : index
      %swap3A_113 = tpu.vector_load %arg5[%swap3A_111, %swap3A_112] {strides = array<i32>} : memref<384x128xf32, #tpu.memory_space<vmem>>, vector<1x16xf32>,
      %swap3A_114 = vector.shape_cast %swap3A_113 : vector<1x16xf32> to vector<16xf32>
      %swap3A_115 = vector.shape_cast %broadcast_in_dim3A_110 : vector<16xf32> to vector<1x16xf32>
      tpu.vector_store %arg5[%swap3A_111, %swap3A_112], %swap3A_115 {strides = array<i32>} : memref<384x128xf32, #tpu.memory_space<vmem>>, vector<1x16xf32>,
      %broadcast_in_dim3A_116 = arith.constant 0.000000e+00 : f32
      %broadcast_in_dim3A_117 = vector.broadcast %broadcast_in_dim3A_116 : f32 to vector<16xf32>
      %swap3A_118 = arith.index_cast %scan3A_74 : i32 to index
      %swap3A_119 = arith.constant 96 : index
      %swap3A_120 = tpu.vector_load %arg5[%swap3A_118, %swap3A_119] {strides = array<i32>} : memref<384x128xf32, #tpu.memory_space<vmem>>, vector<1x16xf32>,
      %swap3A_121 = vector.shape_cast %swap3A_120 : vector<1x16xf32> to vector<16xf32>
      %swap3A_122 = vector.shape_cast %broadcast_in_dim3A_117 : vector<16xf32> to vector<1x16xf32>
      tpu.vector_store %arg5[%swap3A_118, %swap3A_119], %swap3A_122 {strides = array<i32>} : memref<384x128xf32, #tpu.memory_space<vmem>>, vector<1x16xf32>,
      %broadcast_in_dim3A_123 = arith.constant 0.000000e+00 : f32
      %broadcast_in_dim3A_124 = vector.broadcast %broadcast_in_dim3A_123 : f32 to vector<16xf32>
      %swap3A_125 = arith.index_cast %scan3A_74 : i32 to index
      %swap3A_126 = arith.constant 112 : index
      %swap3A_127 = tpu.vector_load %arg5[%swap3A_125, %swap3A_126] {strides = array<i32>} : memref<384x128xf32, #tpu.memory_space<vmem>>, vector<1x16xf32>,
      %swap3A_128 = vector.shape_cast %swap3A_127 : vector<1x16xf32> to vector<16xf32>
      %swap3A_129 = vector.shape_cast %broadcast_in_dim3A_124 : vector<16xf32> to vector<1x16xf32>
      tpu.vector_store %arg5[%swap3A_125, %swap3A_126], %swap3A_129 {strides = array<i32>} : memref<384x128xf32, #tpu.memory_space<vmem>>, vector<1x16xf32>,
      %scan3A_130 = arith.constant 0 : i32
      scf.yield %scan3A_130 : i32
    }
    %scan3A_6 = arith.constant 256 : i32
    %mul3A_7 = arith.constant 256 : i32
    %mul3A_8 = arith.muli %arg1, %mul3A_7 : i32
    "tpu.region"() ({
      %run_scoped3A = tpu.sem_alloc : memref<!tpu.dma_semaphore, #tpu.memory_space<semaphore_mem>>
      %dma_start3A = arith.constant 0 : i32
      %dma_start3A_74 = arith.constant 0 : i32
      %dma_start3A_75 = tpu.memref_slice %arg5[%dma_start3A, %dma_start3A_74] : memref<384x128xf32, #tpu.memory_space<vmem>> -> memref<256x128xf32, #tpu.memory_space<vmem>>
      %dma_start3A_76 = arith.constant 0 : i32
      %dma_start3A_77 = tpu.memref_slice %arg7[%mul3A_8, %dma_start3A_76] : memref<4096x128xf32, #tpu.memory_space<vmem_shared>> -> memref<256x128xf32, #tpu.memory_space<vmem_shared>>
      %dma_start3A_78 = arith.constant 0 : i32
      %dma_start3A_79 = tpu.memref_slice %arg7[%mul3A_8, %dma_start3A_78] : memref<4096x128xf32, #tpu.memory_space<vmem_shared>> -> memref<256x128xf32, #tpu.memory_space<vmem_shared>>
      %dma_start3A_80 = arith.constant 0 : i32
      %dma_start3A_81 = arith.constant 0 : i32
      %dma_start3A_82 = tpu.memref_slice %arg5[%dma_start3A_80, %dma_start3A_81] : memref<384x128xf32, #tpu.memory_space<vmem>> -> memref<256x128xf32, #tpu.memory_space<vmem>>
      tpu.enqueue_dma source(%dma_start3A_82 : memref<256x128xf32, #tpu.memory_space<vmem>>) target(%dma_start3A_79 : memref<256x128xf32, #tpu.memory_space<vmem_shared>>) target_semaphore(%run_scoped3A : memref<!tpu.dma_semaphore, #tpu.memory_space<semaphore_mem>>)
      %dma_wait3A = arith.constant 0 : i32
      %dma_wait3A_83 = arith.constant 0 : i32
      %dma_wait3A_84 = tpu.memref_slice %arg5[%dma_wait3A, %dma_wait3A_83] : memref<384x128xf32, #tpu.memory_space<vmem>> -> memref<256x128xf32, #tpu.memory_space<vmem>>
      %dma_wait3A_85 = arith.constant 0 : i32
      %dma_wait3A_86 = tpu.memref_slice %arg7[%mul3A_8, %dma_wait3A_85] : memref<4096x128xf32, #tpu.memory_space<vmem_shared>> -> memref<256x128xf32, #tpu.memory_space<vmem_shared>>
      %dma_wait3A_87 = arith.constant 0 : i32
      %dma_wait3A_88 = tpu.memref_slice %arg7[%mul3A_8, %dma_wait3A_87] : memref<4096x128xf32, #tpu.memory_space<vmem_shared>> -> memref<256x128xf32, #tpu.memory_space<vmem_shared>>
      %dma_wait3A_89 = arith.constant 0 : i32
      %dma_wait3A_90 = arith.constant 0 : i32
      %dma_wait3A_91 = tpu.memref_slice %arg5[%dma_wait3A_89, %dma_wait3A_90] : memref<384x128xf32, #tpu.memory_space<vmem>> -> memref<256x128xf32, #tpu.memory_space<vmem>>
      tpu.wait_dma2 semaphore(%run_scoped3A : memref<!tpu.dma_semaphore, #tpu.memory_space<semaphore_mem>>) src(%dma_wait3A_91 : memref<256x128xf32, #tpu.memory_space<vmem>>) dst(%dma_wait3A_88 : memref<256x128xf32, #tpu.memory_space<vmem_shared>>)
      tpu.yield
    }) : () -> ()
    %barrier3A = arith.constant 0 : index
    tpu.barrier barrier_id(%barrier3A)
    %lt3A = arith.constant 4 : i32
    %lt3A_9 = arith.cmpi slt, %add3A, %lt3A : i32
    %jit3A = arith.constant 1 : i32
    %jit3A_10 = arith.constant 0 : i32
    %select_n3A = arith.select %lt3A_9, %jit3A, %jit3A_10 : i32
    %add3A_11 = arith.constant 78 : i32
    %add3A_12 = arith.addi %add3A_11, %select_n3A : i32
    %mul3A_13 = arith.constant 78 : i32
    %mul3A_14 = arith.muli %mul3A_13, %add3A : i32
    %min3A = arith.constant 4 : i32
    %min3A_15 = arith.minsi %add3A, %min3A : i32
    %add3A_16 = arith.addi %mul3A_14, %min3A_15 : i32
    %jit3A_17 = arith.constant 3 : i32
    %div3A = arith.divsi %add3A_12, %jit3A_17 : i32
    %sign3A = arith.constant 0 : i32
    %sign3A_18 = arith.cmpi sgt, %add3A_12, %sign3A : i32
    %sign3A_19 = arith.extui %sign3A_18 : i1 to i32
    %sign3A_20 = arith.constant 0 : i32
    %sign3A_21 = arith.cmpi slt, %add3A_12, %sign3A_20 : i32
    %sign3A_22 = arith.extui %sign3A_21 : i1 to i32
    %sign3A_23 = arith.subi %sign3A_19, %sign3A_22 : i32
    %sign3A_24 = arith.constant 0 : i32
    %sign3A_25 = arith.cmpi sgt, %jit3A_17, %sign3A_24 : i32
    %sign3A_26 = arith.extui %sign3A_25 : i1 to i32
    %sign3A_27 = arith.constant 0 : i32
    %sign3A_28 = arith.cmpi slt, %jit3A_17, %sign3A_27 : i32
    %sign3A_29 = arith.extui %sign3A_28 : i1 to i32
    %sign3A_30 = arith.subi %sign3A_26, %sign3A_29 : i32
    %ne3A = arith.cmpi ne, %sign3A_23, %sign3A_30 : i32
    %rem3A = arith.remsi %add3A_12, %jit3A_17 : i32
    %ne3A_31 = arith.constant 0 : i32
    %ne3A_32 = arith.cmpi ne, %rem3A, %ne3A_31 : i32
    %and3A = arith.andi %ne3A, %ne3A_32 : i1
    %sub3A = arith.constant 1 : i32
    %sub3A_33 = arith.subi %div3A, %sub3A : i32
    %select_n3A_34 = arith.select %and3A, %sub3A_33, %div3A : i32
    %while3A = arith.constant 0 : i32
    %while3A_35 = arith.constant 0 : i32
    %while3A_36 = arith.subi %select_n3A_34, %while3A : i32
    %while3A_37 = arith.addi %while3A, %while3A_36 : i32
    %while3A_38 = arith.constant 1 : i32
    %while3A_39 = arith.divsi %while3A_36, %while3A_38 : i32
    %while3A_40 = arith.muli %while3A_39, %while3A_38 : i32
    %while3A_41 = arith.addi %while3A, %while3A_40 : i32
    %while3A_42 = arith.constant 1 : i32
    %while3A_43 = scf.for %while3A_74 = %while3A to %while3A_41 step %while3A_42 iter_args(%while3A_75 = %while3A_35) -> (i32)  : i32 {
      %mul3A_76 = arith.constant 3 : i32
      %mul3A_77 = arith.muli %while3A_74, %mul3A_76 : i32
      %add3A_78 = arith.addi %add3A_16, %mul3A_77 : i32
      %mul3A_79 = arith.constant 128 : i32
      %mul3A_80 = arith.muli %add3A_78, %mul3A_79 : i32
      "tpu.region"() ({
        %run_scoped3A = tpu.sem_alloc : memref<!tpu.dma_semaphore, #tpu.memory_space<semaphore_mem>>
        %dma_start3A = arith.constant 0 : i32
        %dma_start3A_115 = tpu.memref_slice %arg2[%mul3A_80, %dma_start3A] : memref<320000x128xf32, #tpu.memory_space<hbm>> -> memref<384x128xf32, #tpu.memory_space<hbm>>
        %dma_start3A_116 = arith.constant 0 : i32
        %dma_start3A_117 = tpu.memref_slice %arg2[%mul3A_80, %dma_start3A_116] : memref<320000x128xf32, #tpu.memory_space<hbm>> -> memref<384x128xf32, #tpu.memory_space<hbm>>
        tpu.enqueue_dma source(%dma_start3A_117 : memref<384x128xf32, #tpu.memory_space<hbm>>) target(%arg5 : memref<384x128xf32, #tpu.memory_space<vmem>>) target_semaphore(%run_scoped3A : memref<!tpu.dma_semaphore, #tpu.memory_space<semaphore_mem>>)
        %dma_wait3A = arith.constant 0 : i32
        %dma_wait3A_118 = tpu.memref_slice %arg2[%mul3A_80, %dma_wait3A] : memref<320000x128xf32, #tpu.memory_space<hbm>> -> memref<384x128xf32, #tpu.memory_space<hbm>>
        %dma_wait3A_119 = arith.constant 0 : i32
        %dma_wait3A_120 = tpu.memref_slice %arg2[%mul3A_80, %dma_wait3A_119] : memref<320000x128xf32, #tpu.memory_space<hbm>> -> memref<384x128xf32, #tpu.memory_space<hbm>>
        tpu.wait_dma2 semaphore(%run_scoped3A : memref<!tpu.dma_semaphore, #tpu.memory_space<semaphore_mem>>) src(%dma_wait3A_120 : memref<384x128xf32, #tpu.memory_space<hbm>>) dst(%arg5 : memref<384x128xf32, #tpu.memory_space<vmem>>)
        tpu.yield
      }) : () -> ()
      %jit3A_81 = arith.constant 8 : i32
      %div3A_82 = arith.divsi %add3A_78, %jit3A_81 : i32
      %sign3A_83 = arith.constant 0 : i32
      %sign3A_84 = arith.cmpi sgt, %add3A_78, %sign3A_83 : i32
      %sign3A_85 = arith.extui %sign3A_84 : i1 to i32
      %sign3A_86 = arith.constant 0 : i32
      %sign3A_87 = arith.cmpi slt, %add3A_78, %sign3A_86 : i32
      %sign3A_88 = arith.extui %sign3A_87 : i1 to i32
      %sign3A_89 = arith.subi %sign3A_85, %sign3A_88 : i32
      %sign3A_90 = arith.constant 0 : i32
      %sign3A_91 = arith.cmpi sgt, %jit3A_81, %sign3A_90 : i32
      %sign3A_92 = arith.extui %sign3A_91 : i1 to i32
      %sign3A_93 = arith.constant 0 : i32
      %sign3A_94 = arith.cmpi slt, %jit3A_81, %sign3A_93 : i32
      %sign3A_95 = arith.extui %sign3A_94 : i1 to i32
      %sign3A_96 = arith.subi %sign3A_92, %sign3A_95 : i32
      %ne3A_97 = arith.cmpi ne, %sign3A_89, %sign3A_96 : i32
      %rem3A_98 = arith.remsi %add3A_78, %jit3A_81 : i32
      %ne3A_99 = arith.constant 0 : i32
      %ne3A_100 = arith.cmpi ne, %rem3A_98, %ne3A_99 : i32
      %and3A_101 = arith.andi %ne3A_97, %ne3A_100 : i1
      %sub3A_102 = arith.constant 1 : i32
      %sub3A_103 = arith.subi %div3A_82, %sub3A_102 : i32
      %select_n3A_104 = arith.select %and3A_101, %sub3A_103, %div3A_82 : i32
      %mul3A_105 = arith.constant 8 : i32
      %mul3A_106 = arith.muli %select_n3A_104, %mul3A_105 : i32
      %sub3A_107 = arith.subi %add3A_78, %mul3A_106 : i32
      "tpu.region"() ({
        %run_scoped3A = tpu.sem_alloc : memref<!tpu.dma_semaphore, #tpu.memory_space<semaphore_mem>>
        %dma_start3A = arith.constant 0 : i32
        %dma_start3A_115 = tpu.memref_slice %arg3[%mul3A_106, %dma_start3A] : memref<2516x128xi32, #tpu.memory_space<hbm>> -> memref<16x128xi32, #tpu.memory_space<hbm>>
        %dma_start3A_116 = arith.constant 0 : i32
        %dma_start3A_117 = tpu.memref_slice %arg3[%mul3A_106, %dma_start3A_116] : memref<2516x128xi32, #tpu.memory_space<hbm>> -> memref<16x128xi32, #tpu.memory_space<hbm>>
        tpu.enqueue_dma source(%dma_start3A_117 : memref<16x128xi32, #tpu.memory_space<hbm>>) target(%arg6 : memref<16x128xi32, #tpu.memory_space<vmem>>) target_semaphore(%run_scoped3A : memref<!tpu.dma_semaphore, #tpu.memory_space<semaphore_mem>>)
        %dma_wait3A = arith.constant 0 : i32
        %dma_wait3A_118 = tpu.memref_slice %arg3[%mul3A_106, %dma_wait3A] : memref<2516x128xi32, #tpu.memory_space<hbm>> -> memref<16x128xi32, #tpu.memory_space<hbm>>
        %dma_wait3A_119 = arith.constant 0 : i32
        %dma_wait3A_120 = tpu.memref_slice %arg3[%mul3A_106, %dma_wait3A_119] : memref<2516x128xi32, #tpu.memory_space<hbm>> -> memref<16x128xi32, #tpu.memory_space<hbm>>
        tpu.wait_dma2 semaphore(%run_scoped3A : memref<!tpu.dma_semaphore, #tpu.memory_space<semaphore_mem>>) src(%dma_wait3A_120 : memref<16x128xi32, #tpu.memory_space<hbm>>) dst(%arg6 : memref<16x128xi32, #tpu.memory_space<vmem>>)
        tpu.yield
      }) : () -> ()
      %add3A_108 = arith.constant 0 : i32
      %add3A_109 = arith.addi %sub3A_107, %add3A_108 : i32
      "tpu.region"() ({
        %run_scoped3A = tpu.sem_alloc : memref<!tpu.dma_semaphore, #tpu.memory_space<semaphore_mem>>
        %dma_start3A = arith.constant 0 : i32
        %dma_start3A_115 = arith.constant 0 : i32
        %dma_start3A_116 = tpu.memref_slice %arg5[%dma_start3A, %dma_start3A_115] : memref<384x128xf32, #tpu.memory_space<vmem>> -> memref<128x128xf32, #tpu.memory_space<vmem>>
        %dma_start3A_117 = arith.constant 0 : i32
        %dma_start3A_118 = tpu.memref_slice %arg6[%add3A_109, %dma_start3A_117] : memref<16x128xi32, #tpu.memory_space<vmem>> -> memref<1x128xi32, #tpu.memory_space<vmem>>
        %dma_start3A_119 = tpu.memref_squeeze %dma_start3A_118 : memref<1x128xi32, #tpu.memory_space<vmem>> -> memref<128xi32, #tpu.memory_space<vmem>>
        %dma_start3A_120 = arith.constant 0 : i32
        %dma_start3A_121 = arith.constant 0 : i32
        %dma_start3A_122 = tpu.memref_slice %arg7[%dma_start3A_120, %dma_start3A_121] : memref<4096x128xf32, #tpu.memory_space<vmem_shared>> -> memref<4096x128xf32, #tpu.memory_space<vmem_shared>>
        tpu.enqueue_indirect_dma source(%dma_start3A_116 : memref<128x128xf32, #tpu.memory_space<vmem>>) target(%dma_start3A_122 : memref<4096x128xf32, #tpu.memory_space<vmem_shared>>) offsets(%dma_start3A_119 : memref<128xi32, #tpu.memory_space<vmem>>) semaphore(%run_scoped3A : memref<!tpu.dma_semaphore, #tpu.memory_space<semaphore_mem>>) {add = true}
        %dma_wait3A = arith.constant 0 : i32
        %dma_wait3A_123 = arith.constant 0 : i32
        %dma_wait3A_124 = tpu.memref_slice %arg5[%dma_wait3A, %dma_wait3A_123] : memref<384x128xf32, #tpu.memory_space<vmem>> -> memref<128x128xf32, #tpu.memory_space<vmem>>
        %dma_wait3A_125 = arith.constant 0 : i32
        %dma_wait3A_126 = tpu.memref_slice %arg6[%add3A_109, %dma_wait3A_125] : memref<16x128xi32, #tpu.memory_space<vmem>> -> memref<1x128xi32, #tpu.memory_space<vmem>>
        %dma_wait3A_127 = tpu.memref_squeeze %dma_wait3A_126 : memref<1x128xi32, #tpu.memory_space<vmem>> -> memref<128xi32, #tpu.memory_space<vmem>>
        %dma_wait3A_128 = arith.constant 0 : i32
        %dma_wait3A_129 = arith.constant 0 : i32
        %dma_wait3A_130 = tpu.memref_slice %arg7[%dma_wait3A_128, %dma_wait3A_129] : memref<4096x128xf32, #tpu.memory_space<vmem_shared>> -> memref<4096x128xf32, #tpu.memory_space<vmem_shared>>
        tpu.wait_indirect_dma semaphore(%run_scoped3A : memref<!tpu.dma_semaphore, #tpu.memory_space<semaphore_mem>>) src(%dma_wait3A_124 : memref<128x128xf32, #tpu.memory_space<vmem>>) dst(%dma_wait3A_130 : memref<4096x128xf32, #tpu.memory_space<vmem_shared>>)
        tpu.yield
      }) : () -> ()
      %add3A_110 = arith.constant 1 : i32
      %add3A_111 = arith.addi %sub3A_107, %add3A_110 : i32
      "tpu.region"() ({
        %run_scoped3A = tpu.sem_alloc : memref<!tpu.dma_semaphore, #tpu.memory_space<semaphore_mem>>
        %dma_start3A = arith.constant 128 : i32
        %dma_start3A_115 = arith.constant 0 : i32
        %dma_start3A_116 = tpu.memref_slice %arg5[%dma_start3A, %dma_start3A_115] : memref<384x128xf32, #tpu.memory_space<vmem>> -> memref<128x128xf32, #tpu.memory_space<vmem>>
        %dma_start3A_117 = arith.constant 0 : i32
        %dma_start3A_118 = tpu.memref_slice %arg6[%add3A_111, %dma_start3A_117] : memref<16x128xi32, #tpu.memory_space<vmem>> -> memref<1x128xi32, #tpu.memory_space<vmem>>
        %dma_start3A_119 = tpu.memref_squeeze %dma_start3A_118 : memref<1x128xi32, #tpu.memory_space<vmem>> -> memref<128xi32, #tpu.memory_space<vmem>>
        %dma_start3A_120 = arith.constant 0 : i32
        %dma_start3A_121 = arith.constant 0 : i32
        %dma_start3A_122 = tpu.memref_slice %arg7[%dma_start3A_120, %dma_start3A_121] : memref<4096x128xf32, #tpu.memory_space<vmem_shared>> -> memref<4096x128xf32, #tpu.memory_space<vmem_shared>>
        tpu.enqueue_indirect_dma source(%dma_start3A_116 : memref<128x128xf32, #tpu.memory_space<vmem>>) target(%dma_start3A_122 : memref<4096x128xf32, #tpu.memory_space<vmem_shared>>) offsets(%dma_start3A_119 : memref<128xi32, #tpu.memory_space<vmem>>) semaphore(%run_scoped3A : memref<!tpu.dma_semaphore, #tpu.memory_space<semaphore_mem>>) {add = true}
        %dma_wait3A = arith.constant 128 : i32
        %dma_wait3A_123 = arith.constant 0 : i32
        %dma_wait3A_124 = tpu.memref_slice %arg5[%dma_wait3A, %dma_wait3A_123] : memref<384x128xf32, #tpu.memory_space<vmem>> -> memref<128x128xf32, #tpu.memory_space<vmem>>
        %dma_wait3A_125 = arith.constant 0 : i32
        %dma_wait3A_126 = tpu.memref_slice %arg6[%add3A_111, %dma_wait3A_125] : memref<16x128xi32, #tpu.memory_space<vmem>> -> memref<1x128xi32, #tpu.memory_space<vmem>>
        %dma_wait3A_127 = tpu.memref_squeeze %dma_wait3A_126 : memref<1x128xi32, #tpu.memory_space<vmem>> -> memref<128xi32, #tpu.memory_space<vmem>>
        %dma_wait3A_128 = arith.constant 0 : i32
        %dma_wait3A_129 = arith.constant 0 : i32
        %dma_wait3A_130 = tpu.memref_slice %arg7[%dma_wait3A_128, %dma_wait3A_129] : memref<4096x128xf32, #tpu.memory_space<vmem_shared>> -> memref<4096x128xf32, #tpu.memory_space<vmem_shared>>
        tpu.wait_indirect_dma semaphore(%run_scoped3A : memref<!tpu.dma_semaphore, #tpu.memory_space<semaphore_mem>>) src(%dma_wait3A_124 : memref<128x128xf32, #tpu.memory_space<vmem>>) dst(%dma_wait3A_130 : memref<4096x128xf32, #tpu.memory_space<vmem_shared>>)
        tpu.yield
      }) : () -> ()
      %add3A_112 = arith.constant 2 : i32
      %add3A_113 = arith.addi %sub3A_107, %add3A_112 : i32
      "tpu.region"() ({
        %run_scoped3A = tpu.sem_alloc : memref<!tpu.dma_semaphore, #tpu.memory_space<semaphore_mem>>
        %dma_start3A = arith.constant 256 : i32
        %dma_start3A_115 = arith.constant 0 : i32
        %dma_start3A_116 = tpu.memref_slice %arg5[%dma_start3A, %dma_start3A_115] : memref<384x128xf32, #tpu.memory_space<vmem>> -> memref<128x128xf32, #tpu.memory_space<vmem>>
        %dma_start3A_117 = arith.constant 0 : i32
        %dma_start3A_118 = tpu.memref_slice %arg6[%add3A_113, %dma_start3A_117] : memref<16x128xi32, #tpu.memory_space<vmem>> -> memref<1x128xi32, #tpu.memory_space<vmem>>
        %dma_start3A_119 = tpu.memref_squeeze %dma_start3A_118 : memref<1x128xi32, #tpu.memory_space<vmem>> -> memref<128xi32, #tpu.memory_space<vmem>>
        %dma_start3A_120 = arith.constant 0 : i32
        %dma_start3A_121 = arith.constant 0 : i32
        %dma_start3A_122 = tpu.memref_slice %arg7[%dma_start3A_120, %dma_start3A_121] : memref<4096x128xf32, #tpu.memory_space<vmem_shared>> -> memref<4096x128xf32, #tpu.memory_space<vmem_shared>>
        tpu.enqueue_indirect_dma source(%dma_start3A_116 : memref<128x128xf32, #tpu.memory_space<vmem>>) target(%dma_start3A_122 : memref<4096x128xf32, #tpu.memory_space<vmem_shared>>) offsets(%dma_start3A_119 : memref<128xi32, #tpu.memory_space<vmem>>) semaphore(%run_scoped3A : memref<!tpu.dma_semaphore, #tpu.memory_space<semaphore_mem>>) {add = true}
        %dma_wait3A = arith.constant 256 : i32
        %dma_wait3A_123 = arith.constant 0 : i32
        %dma_wait3A_124 = tpu.memref_slice %arg5[%dma_wait3A, %dma_wait3A_123] : memref<384x128xf32, #tpu.memory_space<vmem>> -> memref<128x128xf32, #tpu.memory_space<vmem>>
        %dma_wait3A_125 = arith.constant 0 : i32
        %dma_wait3A_126 = tpu.memref_slice %arg6[%add3A_113, %dma_wait3A_125] : memref<16x128xi32, #tpu.memory_space<vmem>> -> memref<1x128xi32, #tpu.memory_space<vmem>>
        %dma_wait3A_127 = tpu.memref_squeeze %dma_wait3A_126 : memref<1x128xi32, #tpu.memory_space<vmem>> -> memref<128xi32, #tpu.memory_space<vmem>>
        %dma_wait3A_128 = arith.constant 0 : i32
        %dma_wait3A_129 = arith.constant 0 : i32
        %dma_wait3A_130 = tpu.memref_slice %arg7[%dma_wait3A_128, %dma_wait3A_129] : memref<4096x128xf32, #tpu.memory_space<vmem_shared>> -> memref<4096x128xf32, #tpu.memory_space<vmem_shared>>
        tpu.wait_indirect_dma semaphore(%run_scoped3A : memref<!tpu.dma_semaphore, #tpu.memory_space<semaphore_mem>>) src(%dma_wait3A_124 : memref<128x128xf32, #tpu.memory_space<vmem>>) dst(%dma_wait3A_130 : memref<4096x128xf32, #tpu.memory_space<vmem_shared>>)
        tpu.yield
      }) : () -> ()
      %while3A_114 = arith.constant 0 : i32
      scf.yield %while3A_114 : i32
    }
    %while3A_44 = arith.constant 1 : i32
    %while3A_45 = scf.for %while3A_74 = %while3A_41 to %while3A_37 step %while3A_44 iter_args(%while3A_75 = %while3A_43) -> (i32)  : i32 {
      %mul3A_76 = arith.constant 3 : i32
      %mul3A_77 = arith.muli %while3A_74, %mul3A_76 : i32
      %add3A_78 = arith.addi %add3A_16, %mul3A_77 : i32
      %mul3A_79 = arith.constant 128 : i32
      %mul3A_80 = arith.muli %add3A_78, %mul3A_79 : i32
      "tpu.region"() ({
        %run_scoped3A = tpu.sem_alloc : memref<!tpu.dma_semaphore, #tpu.memory_space<semaphore_mem>>
        %dma_start3A = arith.constant 0 : i32
        %dma_start3A_115 = tpu.memref_slice %arg2[%mul3A_80, %dma_start3A] : memref<320000x128xf32, #tpu.memory_space<hbm>> -> memref<384x128xf32, #tpu.memory_space<hbm>>
        %dma_start3A_116 = arith.constant 0 : i32
        %dma_start3A_117 = tpu.memref_slice %arg2[%mul3A_80, %dma_start3A_116] : memref<320000x128xf32, #tpu.memory_space<hbm>> -> memref<384x128xf32, #tpu.memory_space<hbm>>
        tpu.enqueue_dma source(%dma_start3A_117 : memref<384x128xf32, #tpu.memory_space<hbm>>) target(%arg5 : memref<384x128xf32, #tpu.memory_space<vmem>>) target_semaphore(%run_scoped3A : memref<!tpu.dma_semaphore, #tpu.memory_space<semaphore_mem>>)
        %dma_wait3A = arith.constant 0 : i32
        %dma_wait3A_118 = tpu.memref_slice %arg2[%mul3A_80, %dma_wait3A] : memref<320000x128xf32, #tpu.memory_space<hbm>> -> memref<384x128xf32, #tpu.memory_space<hbm>>
        %dma_wait3A_119 = arith.constant 0 : i32
        %dma_wait3A_120 = tpu.memref_slice %arg2[%mul3A_80, %dma_wait3A_119] : memref<320000x128xf32, #tpu.memory_space<hbm>> -> memref<384x128xf32, #tpu.memory_space<hbm>>
        tpu.wait_dma2 semaphore(%run_scoped3A : memref<!tpu.dma_semaphore, #tpu.memory_space<semaphore_mem>>) src(%dma_wait3A_120 : memref<384x128xf32, #tpu.memory_space<hbm>>) dst(%arg5 : memref<384x128xf32, #tpu.memory_space<vmem>>)
        tpu.yield
      }) : () -> ()
      %jit3A_81 = arith.constant 8 : i32
      %div3A_82 = arith.divsi %add3A_78, %jit3A_81 : i32
      %sign3A_83 = arith.constant 0 : i32
      %sign3A_84 = arith.cmpi sgt, %add3A_78, %sign3A_83 : i32
      %sign3A_85 = arith.extui %sign3A_84 : i1 to i32
      %sign3A_86 = arith.constant 0 : i32
      %sign3A_87 = arith.cmpi slt, %add3A_78, %sign3A_86 : i32
      %sign3A_88 = arith.extui %sign3A_87 : i1 to i32
      %sign3A_89 = arith.subi %sign3A_85, %sign3A_88 : i32
      %sign3A_90 = arith.constant 0 : i32
      %sign3A_91 = arith.cmpi sgt, %jit3A_81, %sign3A_90 : i32
      %sign3A_92 = arith.extui %sign3A_91 : i1 to i32
      %sign3A_93 = arith.constant 0 : i32
      %sign3A_94 = arith.cmpi slt, %jit3A_81, %sign3A_93 : i32
      %sign3A_95 = arith.extui %sign3A_94 : i1 to i32
      %sign3A_96 = arith.subi %sign3A_92, %sign3A_95 : i32
      %ne3A_97 = arith.cmpi ne, %sign3A_89, %sign3A_96 : i32
      %rem3A_98 = arith.remsi %add3A_78, %jit3A_81 : i32
      %ne3A_99 = arith.constant 0 : i32
      %ne3A_100 = arith.cmpi ne, %rem3A_98, %ne3A_99 : i32
      %and3A_101 = arith.andi %ne3A_97, %ne3A_100 : i1
      %sub3A_102 = arith.constant 1 : i32
      %sub3A_103 = arith.subi %div3A_82, %sub3A_102 : i32
      %select_n3A_104 = arith.select %and3A_101, %sub3A_103, %div3A_82 : i32
      %mul3A_105 = arith.constant 8 : i32
      %mul3A_106 = arith.muli %select_n3A_104, %mul3A_105 : i32
      %sub3A_107 = arith.subi %add3A_78, %mul3A_106 : i32
      "tpu.region"() ({
        %run_scoped3A = tpu.sem_alloc : memref<!tpu.dma_semaphore, #tpu.memory_space<semaphore_mem>>
        %dma_start3A = arith.constant 0 : i32
        %dma_start3A_115 = tpu.memref_slice %arg3[%mul3A_106, %dma_start3A] : memref<2516x128xi32, #tpu.memory_space<hbm>> -> memref<16x128xi32, #tpu.memory_space<hbm>>
        %dma_start3A_116 = arith.constant 0 : i32
        %dma_start3A_117 = tpu.memref_slice %arg3[%mul3A_106, %dma_start3A_116] : memref<2516x128xi32, #tpu.memory_space<hbm>> -> memref<16x128xi32, #tpu.memory_space<hbm>>
        tpu.enqueue_dma source(%dma_start3A_117 : memref<16x128xi32, #tpu.memory_space<hbm>>) target(%arg6 : memref<16x128xi32, #tpu.memory_space<vmem>>) target_semaphore(%run_scoped3A : memref<!tpu.dma_semaphore, #tpu.memory_space<semaphore_mem>>)
        %dma_wait3A = arith.constant 0 : i32
        %dma_wait3A_118 = tpu.memref_slice %arg3[%mul3A_106, %dma_wait3A] : memref<2516x128xi32, #tpu.memory_space<hbm>> -> memref<16x128xi32, #tpu.memory_space<hbm>>
        %dma_wait3A_119 = arith.constant 0 : i32
        %dma_wait3A_120 = tpu.memref_slice %arg3[%mul3A_106, %dma_wait3A_119] : memref<2516x128xi32, #tpu.memory_space<hbm>> -> memref<16x128xi32, #tpu.memory_space<hbm>>
        tpu.wait_dma2 semaphore(%run_scoped3A : memref<!tpu.dma_semaphore, #tpu.memory_space<semaphore_mem>>) src(%dma_wait3A_120 : memref<16x128xi32, #tpu.memory_space<hbm>>) dst(%arg6 : memref<16x128xi32, #tpu.memory_space<vmem>>)
        tpu.yield
      }) : () -> ()
      %add3A_108 = arith.constant 0 : i32
      %add3A_109 = arith.addi %sub3A_107, %add3A_108 : i32
      "tpu.region"() ({
        %run_scoped3A = tpu.sem_alloc : memref<!tpu.dma_semaphore, #tpu.memory_space<semaphore_mem>>
        %dma_start3A = arith.constant 0 : i32
        %dma_start3A_115 = arith.constant 0 : i32
        %dma_start3A_116 = tpu.memref_slice %arg5[%dma_start3A, %dma_start3A_115] : memref<384x128xf32, #tpu.memory_space<vmem>> -> memref<128x128xf32, #tpu.memory_space<vmem>>
        %dma_start3A_117 = arith.constant 0 : i32
        %dma_start3A_118 = tpu.memref_slice %arg6[%add3A_109, %dma_start3A_117] : memref<16x128xi32, #tpu.memory_space<vmem>> -> memref<1x128xi32, #tpu.memory_space<vmem>>
        %dma_start3A_119 = tpu.memref_squeeze %dma_start3A_118 : memref<1x128xi32, #tpu.memory_space<vmem>> -> memref<128xi32, #tpu.memory_space<vmem>>
        %dma_start3A_120 = arith.constant 0 : i32
        %dma_start3A_121 = arith.constant 0 : i32
        %dma_start3A_122 = tpu.memref_slice %arg7[%dma_start3A_120, %dma_start3A_121] : memref<4096x128xf32, #tpu.memory_space<vmem_shared>> -> memref<4096x128xf32, #tpu.memory_space<vmem_shared>>
        tpu.enqueue_indirect_dma source(%dma_start3A_116 : memref<128x128xf32, #tpu.memory_space<vmem>>) target(%dma_start3A_122 : memref<4096x128xf32, #tpu.memory_space<vmem_shared>>) offsets(%dma_start3A_119 : memref<128xi32, #tpu.memory_space<vmem>>) semaphore(%run_scoped3A : memref<!tpu.dma_semaphore, #tpu.memory_space<semaphore_mem>>) {add = true}
        %dma_wait3A = arith.constant 0 : i32
        %dma_wait3A_123 = arith.constant 0 : i32
        %dma_wait3A_124 = tpu.memref_slice %arg5[%dma_wait3A, %dma_wait3A_123] : memref<384x128xf32, #tpu.memory_space<vmem>> -> memref<128x128xf32, #tpu.memory_space<vmem>>
        %dma_wait3A_125 = arith.constant 0 : i32
        %dma_wait3A_126 = tpu.memref_slice %arg6[%add3A_109, %dma_wait3A_125] : memref<16x128xi32, #tpu.memory_space<vmem>> -> memref<1x128xi32, #tpu.memory_space<vmem>>
        %dma_wait3A_127 = tpu.memref_squeeze %dma_wait3A_126 : memref<1x128xi32, #tpu.memory_space<vmem>> -> memref<128xi32, #tpu.memory_space<vmem>>
        %dma_wait3A_128 = arith.constant 0 : i32
        %dma_wait3A_129 = arith.constant 0 : i32
        %dma_wait3A_130 = tpu.memref_slice %arg7[%dma_wait3A_128, %dma_wait3A_129] : memref<4096x128xf32, #tpu.memory_space<vmem_shared>> -> memref<4096x128xf32, #tpu.memory_space<vmem_shared>>
        tpu.wait_indirect_dma semaphore(%run_scoped3A : memref<!tpu.dma_semaphore, #tpu.memory_space<semaphore_mem>>) src(%dma_wait3A_124 : memref<128x128xf32, #tpu.memory_space<vmem>>) dst(%dma_wait3A_130 : memref<4096x128xf32, #tpu.memory_space<vmem_shared>>)
        tpu.yield
      }) : () -> ()
      %add3A_110 = arith.constant 1 : i32
      %add3A_111 = arith.addi %sub3A_107, %add3A_110 : i32
      "tpu.region"() ({
        %run_scoped3A = tpu.sem_alloc : memref<!tpu.dma_semaphore, #tpu.memory_space<semaphore_mem>>
        %dma_start3A = arith.constant 128 : i32
        %dma_start3A_115 = arith.constant 0 : i32
        %dma_start3A_116 = tpu.memref_slice %arg5[%dma_start3A, %dma_start3A_115] : memref<384x128xf32, #tpu.memory_space<vmem>> -> memref<128x128xf32, #tpu.memory_space<vmem>>
        %dma_start3A_117 = arith.constant 0 : i32
        %dma_start3A_118 = tpu.memref_slice %arg6[%add3A_111, %dma_start3A_117] : memref<16x128xi32, #tpu.memory_space<vmem>> -> memref<1x128xi32, #tpu.memory_space<vmem>>
        %dma_start3A_119 = tpu.memref_squeeze %dma_start3A_118 : memref<1x128xi32, #tpu.memory_space<vmem>> -> memref<128xi32, #tpu.memory_space<vmem>>
        %dma_start3A_120 = arith.constant 0 : i32
        %dma_start3A_121 = arith.constant 0 : i32
        %dma_start3A_122 = tpu.memref_slice %arg7[%dma_start3A_120, %dma_start3A_121] : memref<4096x128xf32, #tpu.memory_space<vmem_shared>> -> memref<4096x128xf32, #tpu.memory_space<vmem_shared>>
        tpu.enqueue_indirect_dma source(%dma_start3A_116 : memref<128x128xf32, #tpu.memory_space<vmem>>) target(%dma_start3A_122 : memref<4096x128xf32, #tpu.memory_space<vmem_shared>>) offsets(%dma_start3A_119 : memref<128xi32, #tpu.memory_space<vmem>>) semaphore(%run_scoped3A : memref<!tpu.dma_semaphore, #tpu.memory_space<semaphore_mem>>) {add = true}
        %dma_wait3A = arith.constant 128 : i32
        %dma_wait3A_123 = arith.constant 0 : i32
        %dma_wait3A_124 = tpu.memref_slice %arg5[%dma_wait3A, %dma_wait3A_123] : memref<384x128xf32, #tpu.memory_space<vmem>> -> memref<128x128xf32, #tpu.memory_space<vmem>>
        %dma_wait3A_125 = arith.constant 0 : i32
        %dma_wait3A_126 = tpu.memref_slice %arg6[%add3A_111, %dma_wait3A_125] : memref<16x128xi32, #tpu.memory_space<vmem>> -> memref<1x128xi32, #tpu.memory_space<vmem>>
        %dma_wait3A_127 = tpu.memref_squeeze %dma_wait3A_126 : memref<1x128xi32, #tpu.memory_space<vmem>> -> memref<128xi32, #tpu.memory_space<vmem>>
        %dma_wait3A_128 = arith.constant 0 : i32
        %dma_wait3A_129 = arith.constant 0 : i32
        %dma_wait3A_130 = tpu.memref_slice %arg7[%dma_wait3A_128, %dma_wait3A_129] : memref<4096x128xf32, #tpu.memory_space<vmem_shared>> -> memref<4096x128xf32, #tpu.memory_space<vmem_shared>>
        tpu.wait_indirect_dma semaphore(%run_scoped3A : memref<!tpu.dma_semaphore, #tpu.memory_space<semaphore_mem>>) src(%dma_wait3A_124 : memref<128x128xf32, #tpu.memory_space<vmem>>) dst(%dma_wait3A_130 : memref<4096x128xf32, #tpu.memory_space<vmem_shared>>)
        tpu.yield
      }) : () -> ()
      %add3A_112 = arith.constant 2 : i32
      %add3A_113 = arith.addi %sub3A_107, %add3A_112 : i32
      "tpu.region"() ({
        %run_scoped3A = tpu.sem_alloc : memref<!tpu.dma_semaphore, #tpu.memory_space<semaphore_mem>>
        %dma_start3A = arith.constant 256 : i32
        %dma_start3A_115 = arith.constant 0 : i32
        %dma_start3A_116 = tpu.memref_slice %arg5[%dma_start3A, %dma_start3A_115] : memref<384x128xf32, #tpu.memory_space<vmem>> -> memref<128x128xf32, #tpu.memory_space<vmem>>
        %dma_start3A_117 = arith.constant 0 : i32
        %dma_start3A_118 = tpu.memref_slice %arg6[%add3A_113, %dma_start3A_117] : memref<16x128xi32, #tpu.memory_space<vmem>> -> memref<1x128xi32, #tpu.memory_space<vmem>>
        %dma_start3A_119 = tpu.memref_squeeze %dma_start3A_118 : memref<1x128xi32, #tpu.memory_space<vmem>> -> memref<128xi32, #tpu.memory_space<vmem>>
        %dma_start3A_120 = arith.constant 0 : i32
        %dma_start3A_121 = arith.constant 0 : i32
        %dma_start3A_122 = tpu.memref_slice %arg7[%dma_start3A_120, %dma_start3A_121] : memref<4096x128xf32, #tpu.memory_space<vmem_shared>> -> memref<4096x128xf32, #tpu.memory_space<vmem_shared>>
        tpu.enqueue_indirect_dma source(%dma_start3A_116 : memref<128x128xf32, #tpu.memory_space<vmem>>) target(%dma_start3A_122 : memref<4096x128xf32, #tpu.memory_space<vmem_shared>>) offsets(%dma_start3A_119 : memref<128xi32, #tpu.memory_space<vmem>>) semaphore(%run_scoped3A : memref<!tpu.dma_semaphore, #tpu.memory_space<semaphore_mem>>) {add = true}
        %dma_wait3A = arith.constant 256 : i32
        %dma_wait3A_123 = arith.constant 0 : i32
        %dma_wait3A_124 = tpu.memref_slice %arg5[%dma_wait3A, %dma_wait3A_123] : memref<384x128xf32, #tpu.memory_space<vmem>> -> memref<128x128xf32, #tpu.memory_space<vmem>>
        %dma_wait3A_125 = arith.constant 0 : i32
        %dma_wait3A_126 = tpu.memref_slice %arg6[%add3A_113, %dma_wait3A_125] : memref<16x128xi32, #tpu.memory_space<vmem>> -> memref<1x128xi32, #tpu.memory_space<vmem>>
        %dma_wait3A_127 = tpu.memref_squeeze %dma_wait3A_126 : memref<1x128xi32, #tpu.memory_space<vmem>> -> memref<128xi32, #tpu.memory_space<vmem>>
        %dma_wait3A_128 = arith.constant 0 : i32
        %dma_wait3A_129 = arith.constant 0 : i32
        %dma_wait3A_130 = tpu.memref_slice %arg7[%dma_wait3A_128, %dma_wait3A_129] : memref<4096x128xf32, #tpu.memory_space<vmem_shared>> -> memref<4096x128xf32, #tpu.memory_space<vmem_shared>>
        tpu.wait_indirect_dma semaphore(%run_scoped3A : memref<!tpu.dma_semaphore, #tpu.memory_space<semaphore_mem>>) src(%dma_wait3A_124 : memref<128x128xf32, #tpu.memory_space<vmem>>) dst(%dma_wait3A_130 : memref<4096x128xf32, #tpu.memory_space<vmem_shared>>)
        tpu.yield
      }) : () -> ()
      %while3A_114 = arith.constant 0 : i32
      scf.yield %while3A_114 : i32
    }
    %jit3A_46 = arith.constant 3 : i32
    %eq3A = arith.constant 0 : i32
    %eq3A_47 = arith.cmpi eq, %jit3A_46, %eq3A : i32
    %jit3A_48 = arith.constant 1 : i32
    %select_n3A_49 = arith.select %eq3A_47, %jit3A_48, %jit3A_46 : i32
    %rem3A_50 = arith.remsi %add3A_12, %select_n3A_49 : i32
    %ne3A_51 = arith.constant 0 : i32
    %ne3A_52 = arith.cmpi ne, %rem3A_50, %ne3A_51 : i32
    %lt3A_53 = arith.constant 0 : i32
    %lt3A_54 = arith.cmpi slt, %rem3A_50, %lt3A_53 : i32
    %lt3A_55 = arith.constant 0 : i32
    %lt3A_56 = arith.cmpi slt, %select_n3A_49, %lt3A_55 : i32
    %ne3A_57 = arith.xori %lt3A_54, %lt3A_56 : i1
    %and3A_58 = arith.andi %ne3A_57, %ne3A_52 : i1
    %add3A_59 = arith.addi %rem3A_50, %select_n3A_49 : i32
    %select_n3A_60 = arith.select %and3A_58, %add3A_59, %rem3A_50 : i32
    %while3A_61 = arith.constant 0 : i32
    %while3A_62 = arith.constant 0 : i32
    %while3A_63 = arith.subi %select_n3A_60, %while3A_61 : i32
    %while3A_64 = arith.addi %while3A_61, %while3A_63 : i32
    %while3A_65 = arith.constant 1 : i32
    %while3A_66 = arith.divsi %while3A_63, %while3A_65 : i32
    %while3A_67 = arith.muli %while3A_66, %while3A_65 : i32
    %while3A_68 = arith.addi %while3A_61, %while3A_67 : i32
    %while3A_69 = arith.constant 1 : i32
    %while3A_70 = scf.for %while3A_74 = %while3A_61 to %while3A_68 step %while3A_69 iter_args(%while3A_75 = %while3A_62) -> (i32)  : i32 {
      %jit3A_76 = arith.constant 3 : i32
      %div3A_77 = arith.divsi %add3A_12, %jit3A_76 : i32
      %sign3A_78 = arith.constant 0 : i32
      %sign3A_79 = arith.cmpi sgt, %add3A_12, %sign3A_78 : i32
      %sign3A_80 = arith.extui %sign3A_79 : i1 to i32
      %sign3A_81 = arith.constant 0 : i32
      %sign3A_82 = arith.cmpi slt, %add3A_12, %sign3A_81 : i32
      %sign3A_83 = arith.extui %sign3A_82 : i1 to i32
      %sign3A_84 = arith.subi %sign3A_80, %sign3A_83 : i32
      %sign3A_85 = arith.constant 0 : i32
      %sign3A_86 = arith.cmpi sgt, %jit3A_76, %sign3A_85 : i32
      %sign3A_87 = arith.extui %sign3A_86 : i1 to i32
      %sign3A_88 = arith.constant 0 : i32
      %sign3A_89 = arith.cmpi slt, %jit3A_76, %sign3A_88 : i32
      %sign3A_90 = arith.extui %sign3A_89 : i1 to i32
      %sign3A_91 = arith.subi %sign3A_87, %sign3A_90 : i32
      %ne3A_92 = arith.cmpi ne, %sign3A_84, %sign3A_91 : i32
      %rem3A_93 = arith.remsi %add3A_12, %jit3A_76 : i32
      %ne3A_94 = arith.constant 0 : i32
      %ne3A_95 = arith.cmpi ne, %rem3A_93, %ne3A_94 : i32
      %and3A_96 = arith.andi %ne3A_92, %ne3A_95 : i1
      %sub3A_97 = arith.constant 1 : i32
      %sub3A_98 = arith.subi %div3A_77, %sub3A_97 : i32
      %select_n3A_99 = arith.select %and3A_96, %sub3A_98, %div3A_77 : i32
      %mul3A_100 = arith.constant 3 : i32
      %mul3A_101 = arith.muli %select_n3A_99, %mul3A_100 : i32
      %add3A_102 = arith.addi %add3A_16, %mul3A_101 : i32
      %add3A_103 = arith.addi %add3A_102, %while3A_74 : i32
      %mul3A_104 = arith.constant 128 : i32
      %mul3A_105 = arith.muli %add3A_103, %mul3A_104 : i32
      "tpu.region"() ({
        %run_scoped3A = tpu.sem_alloc : memref<!tpu.dma_semaphore, #tpu.memory_space<semaphore_mem>>
        %dma_start3A = arith.constant 0 : i32
        %dma_start3A_134 = arith.constant 0 : i32
        %dma_start3A_135 = tpu.memref_slice %arg5[%dma_start3A, %dma_start3A_134] : memref<384x128xf32, #tpu.memory_space<vmem>> -> memref<128x128xf32, #tpu.memory_space<vmem>>
        %dma_start3A_136 = arith.constant 0 : i32
        %dma_start3A_137 = tpu.memref_slice %arg2[%mul3A_105, %dma_start3A_136] : memref<320000x128xf32, #tpu.memory_space<hbm>> -> memref<128x128xf32, #tpu.memory_space<hbm>>
        %dma_start3A_138 = arith.constant 0 : i32
        %dma_start3A_139 = arith.constant 0 : i32
        %dma_start3A_140 = tpu.memref_slice %arg5[%dma_start3A_138, %dma_start3A_139] : memref<384x128xf32, #tpu.memory_space<vmem>> -> memref<128x128xf32, #tpu.memory_space<vmem>>
        %dma_start3A_141 = arith.constant 0 : i32
        %dma_start3A_142 = tpu.memref_slice %arg2[%mul3A_105, %dma_start3A_141] : memref<320000x128xf32, #tpu.memory_space<hbm>> -> memref<128x128xf32, #tpu.memory_space<hbm>>
        tpu.enqueue_dma source(%dma_start3A_142 : memref<128x128xf32, #tpu.memory_space<hbm>>) target(%dma_start3A_140 : memref<128x128xf32, #tpu.memory_space<vmem>>) target_semaphore(%run_scoped3A : memref<!tpu.dma_semaphore, #tpu.memory_space<semaphore_mem>>)
        %dma_wait3A = arith.constant 0 : i32
        %dma_wait3A_143 = arith.constant 0 : i32
        %dma_wait3A_144 = tpu.memref_slice %arg5[%dma_wait3A, %dma_wait3A_143] : memref<384x128xf32, #tpu.memory_space<vmem>> -> memref<128x128xf32, #tpu.memory_space<vmem>>
        %dma_wait3A_145 = arith.constant 0 : i32
        %dma_wait3A_146 = tpu.memref_slice %arg2[%mul3A_105, %dma_wait3A_145] : memref<320000x128xf32, #tpu.memory_space<hbm>> -> memref<128x128xf32, #tpu.memory_space<hbm>>
        %dma_wait3A_147 = arith.constant 0 : i32
        %dma_wait3A_148 = arith.constant 0 : i32
        %dma_wait3A_149 = tpu.memref_slice %arg5[%dma_wait3A_147, %dma_wait3A_148] : memref<384x128xf32, #tpu.memory_space<vmem>> -> memref<128x128xf32, #tpu.memory_space<vmem>>
        %dma_wait3A_150 = arith.constant 0 : i32
        %dma_wait3A_151 = tpu.memref_slice %arg2[%mul3A_105, %dma_wait3A_150] : memref<320000x128xf32, #tpu.memory_space<hbm>> -> memref<128x128xf32, #tpu.memory_space<hbm>>
        tpu.wait_dma2 semaphore(%run_scoped3A : memref<!tpu.dma_semaphore, #tpu.memory_space<semaphore_mem>>) src(%dma_wait3A_151 : memref<128x128xf32, #tpu.memory_space<hbm>>) dst(%dma_wait3A_149 : memref<128x128xf32, #tpu.memory_space<vmem>>)
        tpu.yield
      }) : () -> ()
      %jit3A_106 = arith.constant 8 : i32
      %div3A_107 = arith.divsi %add3A_103, %jit3A_106 : i32
      %sign3A_108 = arith.constant 0 : i32
      %sign3A_109 = arith.cmpi sgt, %add3A_103, %sign3A_108 : i32
      %sign3A_110 = arith.extui %sign3A_109 : i1 to i32
      %sign3A_111 = arith.constant 0 : i32
      %sign3A_112 = arith.cmpi slt, %add3A_103, %sign3A_111 : i32
      %sign3A_113 = arith.extui %sign3A_112 : i1 to i32
      %sign3A_114 = arith.subi %sign3A_110, %sign3A_113 : i32
      %sign3A_115 = arith.constant 0 : i32
      %sign3A_116 = arith.cmpi sgt, %jit3A_106, %sign3A_115 : i32
      %sign3A_117 = arith.extui %sign3A_116 : i1 to i32
      %sign3A_118 = arith.constant 0 : i32
      %sign3A_119 = arith.cmpi slt, %jit3A_106, %sign3A_118 : i32
      %sign3A_120 = arith.extui %sign3A_119 : i1 to i32
      %sign3A_121 = arith.subi %sign3A_117, %sign3A_120 : i32
      %ne3A_122 = arith.cmpi ne, %sign3A_114, %sign3A_121 : i32
      %rem3A_123 = arith.remsi %add3A_103, %jit3A_106 : i32
      %ne3A_124 = arith.constant 0 : i32
      %ne3A_125 = arith.cmpi ne, %rem3A_123, %ne3A_124 : i32
      %and3A_126 = arith.andi %ne3A_122, %ne3A_125 : i1
      %sub3A_127 = arith.constant 1 : i32
      %sub3A_128 = arith.subi %div3A_107, %sub3A_127 : i32
      %select_n3A_129 = arith.select %and3A_126, %sub3A_128, %div3A_107 : i32
      %mul3A_130 = arith.constant 8 : i32
      %mul3A_131 = arith.muli %select_n3A_129, %mul3A_130 : i32
      %sub3A_132 = arith.subi %add3A_103, %mul3A_131 : i32
      "tpu.region"() ({
        %run_scoped3A = tpu.sem_alloc : memref<!tpu.dma_semaphore, #tpu.memory_space<semaphore_mem>>
        %dma_start3A = arith.constant 0 : i32
        %dma_start3A_134 = tpu.memref_slice %arg3[%mul3A_131, %dma_start3A] : memref<2516x128xi32, #tpu.memory_space<hbm>> -> memref<16x128xi32, #tpu.memory_space<hbm>>
        %dma_start3A_135 = arith.constant 0 : i32
        %dma_start3A_136 = tpu.memref_slice %arg3[%mul3A_131, %dma_start3A_135] : memref<2516x128xi32, #tpu.memory_space<hbm>> -> memref<16x128xi32, #tpu.memory_space<hbm>>
        tpu.enqueue_dma source(%dma_start3A_136 : memref<16x128xi32, #tpu.memory_space<hbm>>) target(%arg6 : memref<16x128xi32, #tpu.memory_space<vmem>>) target_semaphore(%run_scoped3A : memref<!tpu.dma_semaphore, #tpu.memory_space<semaphore_mem>>)
        %dma_wait3A = arith.constant 0 : i32
        %dma_wait3A_137 = tpu.memref_slice %arg3[%mul3A_131, %dma_wait3A] : memref<2516x128xi32, #tpu.memory_space<hbm>> -> memref<16x128xi32, #tpu.memory_space<hbm>>
        %dma_wait3A_138 = arith.constant 0 : i32
        %dma_wait3A_139 = tpu.memref_slice %arg3[%mul3A_131, %dma_wait3A_138] : memref<2516x128xi32, #tpu.memory_space<hbm>> -> memref<16x128xi32, #tpu.memory_space<hbm>>
        tpu.wait_dma2 semaphore(%run_scoped3A : memref<!tpu.dma_semaphore, #tpu.memory_space<semaphore_mem>>) src(%dma_wait3A_139 : memref<16x128xi32, #tpu.memory_space<hbm>>) dst(%arg6 : memref<16x128xi32, #tpu.memory_space<vmem>>)
        tpu.yield
      }) : () -> ()
      "tpu.region"() ({
        %run_scoped3A = tpu.sem_alloc : memref<!tpu.dma_semaphore, #tpu.memory_space<semaphore_mem>>
        %dma_start3A = arith.constant 0 : i32
        %dma_start3A_134 = arith.constant 0 : i32
        %dma_start3A_135 = tpu.memref_slice %arg5[%dma_start3A, %dma_start3A_134] : memref<384x128xf32, #tpu.memory_space<vmem>> -> memref<128x128xf32, #tpu.memory_space<vmem>>
        %dma_start3A_136 = arith.constant 0 : i32
        %dma_start3A_137 = tpu.memref_slice %arg6[%sub3A_132, %dma_start3A_136] : memref<16x128xi32, #tpu.memory_space<vmem>> -> memref<1x128xi32, #tpu.memory_space<vmem>>
        %dma_start3A_138 = tpu.memref_squeeze %dma_start3A_137 : memref<1x128xi32, #tpu.memory_space<vmem>> -> memref<128xi32, #tpu.memory_space<vmem>>
        %dma_start3A_139 = arith.constant 0 : i32
        %dma_start3A_140 = arith.constant 0 : i32
        %dma_start3A_141 = tpu.memref_slice %arg7[%dma_start3A_139, %dma_start3A_140] : memref<4096x128xf32, #tpu.memory_space<vmem_shared>> -> memref<4096x128xf32, #tpu.memory_space<vmem_shared>>
        tpu.enqueue_indirect_dma source(%dma_start3A_135 : memref<128x128xf32, #tpu.memory_space<vmem>>) target(%dma_start3A_141 : memref<4096x128xf32, #tpu.memory_space<vmem_shared>>) offsets(%dma_start3A_138 : memref<128xi32, #tpu.memory_space<vmem>>) semaphore(%run_scoped3A : memref<!tpu.dma_semaphore, #tpu.memory_space<semaphore_mem>>) {add = true}
        %dma_wait3A = arith.constant 0 : i32
        %dma_wait3A_142 = arith.constant 0 : i32
        %dma_wait3A_143 = tpu.memref_slice %arg5[%dma_wait3A, %dma_wait3A_142] : memref<384x128xf32, #tpu.memory_space<vmem>> -> memref<128x128xf32, #tpu.memory_space<vmem>>
        %dma_wait3A_144 = arith.constant 0 : i32
        %dma_wait3A_145 = tpu.memref_slice %arg6[%sub3A_132, %dma_wait3A_144] : memref<16x128xi32, #tpu.memory_space<vmem>> -> memref<1x128xi32, #tpu.memory_space<vmem>>
        %dma_wait3A_146 = tpu.memref_squeeze %dma_wait3A_145 : memref<1x128xi32, #tpu.memory_space<vmem>> -> memref<128xi32, #tpu.memory_space<vmem>>
        %dma_wait3A_147 = arith.constant 0 : i32
        %dma_wait3A_148 = arith.constant 0 : i32
        %dma_wait3A_149 = tpu.memref_slice %arg7[%dma_wait3A_147, %dma_wait3A_148] : memref<4096x128xf32, #tpu.memory_space<vmem_shared>> -> memref<4096x128xf32, #tpu.memory_space<vmem_shared>>
        tpu.wait_indirect_dma semaphore(%run_scoped3A : memref<!tpu.dma_semaphore, #tpu.memory_space<semaphore_mem>>) src(%dma_wait3A_143 : memref<128x128xf32, #tpu.memory_space<vmem>>) dst(%dma_wait3A_149 : memref<4096x128xf32, #tpu.memory_space<vmem_shared>>)
        tpu.yield
      }) : () -> ()
      %while3A_133 = arith.constant 0 : i32
      scf.yield %while3A_133 : i32
    }
    %while3A_71 = arith.constant 1 : i32
    %while3A_72 = scf.for %while3A_74 = %while3A_68 to %while3A_64 step %while3A_71 iter_args(%while3A_75 = %while3A_70) -> (i32)  : i32 {
      %jit3A_76 = arith.constant 3 : i32
      %div3A_77 = arith.divsi %add3A_12, %jit3A_76 : i32
      %sign3A_78 = arith.constant 0 : i32
      %sign3A_79 = arith.cmpi sgt, %add3A_12, %sign3A_78 : i32
      %sign3A_80 = arith.extui %sign3A_79 : i1 to i32
      %sign3A_81 = arith.constant 0 : i32
      %sign3A_82 = arith.cmpi slt, %add3A_12, %sign3A_81 : i32
      %sign3A_83 = arith.extui %sign3A_82 : i1 to i32
      %sign3A_84 = arith.subi %sign3A_80, %sign3A_83 : i32
      %sign3A_85 = arith.constant 0 : i32
      %sign3A_86 = arith.cmpi sgt, %jit3A_76, %sign3A_85 : i32
      %sign3A_87 = arith.extui %sign3A_86 : i1 to i32
      %sign3A_88 = arith.constant 0 : i32
      %sign3A_89 = arith.cmpi slt, %jit3A_76, %sign3A_88 : i32
      %sign3A_90 = arith.extui %sign3A_89 : i1 to i32
      %sign3A_91 = arith.subi %sign3A_87, %sign3A_90 : i32
      %ne3A_92 = arith.cmpi ne, %sign3A_84, %sign3A_91 : i32
      %rem3A_93 = arith.remsi %add3A_12, %jit3A_76 : i32
      %ne3A_94 = arith.constant 0 : i32
      %ne3A_95 = arith.cmpi ne, %rem3A_93, %ne3A_94 : i32
      %and3A_96 = arith.andi %ne3A_92, %ne3A_95 : i1
      %sub3A_97 = arith.constant 1 : i32
      %sub3A_98 = arith.subi %div3A_77, %sub3A_97 : i32
      %select_n3A_99 = arith.select %and3A_96, %sub3A_98, %div3A_77 : i32
      %mul3A_100 = arith.constant 3 : i32
      %mul3A_101 = arith.muli %select_n3A_99, %mul3A_100 : i32
      %add3A_102 = arith.addi %add3A_16, %mul3A_101 : i32
      %add3A_103 = arith.addi %add3A_102, %while3A_74 : i32
      %mul3A_104 = arith.constant 128 : i32
      %mul3A_105 = arith.muli %add3A_103, %mul3A_104 : i32
      "tpu.region"() ({
        %run_scoped3A = tpu.sem_alloc : memref<!tpu.dma_semaphore, #tpu.memory_space<semaphore_mem>>
        %dma_start3A = arith.constant 0 : i32
        %dma_start3A_134 = arith.constant 0 : i32
        %dma_start3A_135 = tpu.memref_slice %arg5[%dma_start3A, %dma_start3A_134] : memref<384x128xf32, #tpu.memory_space<vmem>> -> memref<128x128xf32, #tpu.memory_space<vmem>>
        %dma_start3A_136 = arith.constant 0 : i32
        %dma_start3A_137 = tpu.memref_slice %arg2[%mul3A_105, %dma_start3A_136] : memref<320000x128xf32, #tpu.memory_space<hbm>> -> memref<128x128xf32, #tpu.memory_space<hbm>>
        %dma_start3A_138 = arith.constant 0 : i32
        %dma_start3A_139 = arith.constant 0 : i32
        %dma_start3A_140 = tpu.memref_slice %arg5[%dma_start3A_138, %dma_start3A_139] : memref<384x128xf32, #tpu.memory_space<vmem>> -> memref<128x128xf32, #tpu.memory_space<vmem>>
        %dma_start3A_141 = arith.constant 0 : i32
        %dma_start3A_142 = tpu.memref_slice %arg2[%mul3A_105, %dma_start3A_141] : memref<320000x128xf32, #tpu.memory_space<hbm>> -> memref<128x128xf32, #tpu.memory_space<hbm>>
        tpu.enqueue_dma source(%dma_start3A_142 : memref<128x128xf32, #tpu.memory_space<hbm>>) target(%dma_start3A_140 : memref<128x128xf32, #tpu.memory_space<vmem>>) target_semaphore(%run_scoped3A : memref<!tpu.dma_semaphore, #tpu.memory_space<semaphore_mem>>)
        %dma_wait3A = arith.constant 0 : i32
        %dma_wait3A_143 = arith.constant 0 : i32
        %dma_wait3A_144 = tpu.memref_slice %arg5[%dma_wait3A, %dma_wait3A_143] : memref<384x128xf32, #tpu.memory_space<vmem>> -> memref<128x128xf32, #tpu.memory_space<vmem>>
        %dma_wait3A_145 = arith.constant 0 : i32
        %dma_wait3A_146 = tpu.memref_slice %arg2[%mul3A_105, %dma_wait3A_145] : memref<320000x128xf32, #tpu.memory_space<hbm>> -> memref<128x128xf32, #tpu.memory_space<hbm>>
        %dma_wait3A_147 = arith.constant 0 : i32
        %dma_wait3A_148 = arith.constant 0 : i32
        %dma_wait3A_149 = tpu.memref_slice %arg5[%dma_wait3A_147, %dma_wait3A_148] : memref<384x128xf32, #tpu.memory_space<vmem>> -> memref<128x128xf32, #tpu.memory_space<vmem>>
        %dma_wait3A_150 = arith.constant 0 : i32
        %dma_wait3A_151 = tpu.memref_slice %arg2[%mul3A_105, %dma_wait3A_150] : memref<320000x128xf32, #tpu.memory_space<hbm>> -> memref<128x128xf32, #tpu.memory_space<hbm>>
        tpu.wait_dma2 semaphore(%run_scoped3A : memref<!tpu.dma_semaphore, #tpu.memory_space<semaphore_mem>>) src(%dma_wait3A_151 : memref<128x128xf32, #tpu.memory_space<hbm>>) dst(%dma_wait3A_149 : memref<128x128xf32, #tpu.memory_space<vmem>>)
        tpu.yield
      }) : () -> ()
      %jit3A_106 = arith.constant 8 : i32
      %div3A_107 = arith.divsi %add3A_103, %jit3A_106 : i32
      %sign3A_108 = arith.constant 0 : i32
      %sign3A_109 = arith.cmpi sgt, %add3A_103, %sign3A_108 : i32
      %sign3A_110 = arith.extui %sign3A_109 : i1 to i32
      %sign3A_111 = arith.constant 0 : i32
      %sign3A_112 = arith.cmpi slt, %add3A_103, %sign3A_111 : i32
      %sign3A_113 = arith.extui %sign3A_112 : i1 to i32
      %sign3A_114 = arith.subi %sign3A_110, %sign3A_113 : i32
      %sign3A_115 = arith.constant 0 : i32
      %sign3A_116 = arith.cmpi sgt, %jit3A_106, %sign3A_115 : i32
      %sign3A_117 = arith.extui %sign3A_116 : i1 to i32
      %sign3A_118 = arith.constant 0 : i32
      %sign3A_119 = arith.cmpi slt, %jit3A_106, %sign3A_118 : i32
      %sign3A_120 = arith.extui %sign3A_119 : i1 to i32
      %sign3A_121 = arith.subi %sign3A_117, %sign3A_120 : i32
      %ne3A_122 = arith.cmpi ne, %sign3A_114, %sign3A_121 : i32
      %rem3A_123 = arith.remsi %add3A_103, %jit3A_106 : i32
      %ne3A_124 = arith.constant 0 : i32
      %ne3A_125 = arith.cmpi ne, %rem3A_123, %ne3A_124 : i32
      %and3A_126 = arith.andi %ne3A_122, %ne3A_125 : i1
      %sub3A_127 = arith.constant 1 : i32
      %sub3A_128 = arith.subi %div3A_107, %sub3A_127 : i32
      %select_n3A_129 = arith.select %and3A_126, %sub3A_128, %div3A_107 : i32
      %mul3A_130 = arith.constant 8 : i32
      %mul3A_131 = arith.muli %select_n3A_129, %mul3A_130 : i32
      %sub3A_132 = arith.subi %add3A_103, %mul3A_131 : i32
      "tpu.region"() ({
        %run_scoped3A = tpu.sem_alloc : memref<!tpu.dma_semaphore, #tpu.memory_space<semaphore_mem>>
        %dma_start3A = arith.constant 0 : i32
        %dma_start3A_134 = tpu.memref_slice %arg3[%mul3A_131, %dma_start3A] : memref<2516x128xi32, #tpu.memory_space<hbm>> -> memref<16x128xi32, #tpu.memory_space<hbm>>
        %dma_start3A_135 = arith.constant 0 : i32
        %dma_start3A_136 = tpu.memref_slice %arg3[%mul3A_131, %dma_start3A_135] : memref<2516x128xi32, #tpu.memory_space<hbm>> -> memref<16x128xi32, #tpu.memory_space<hbm>>
        tpu.enqueue_dma source(%dma_start3A_136 : memref<16x128xi32, #tpu.memory_space<hbm>>) target(%arg6 : memref<16x128xi32, #tpu.memory_space<vmem>>) target_semaphore(%run_scoped3A : memref<!tpu.dma_semaphore, #tpu.memory_space<semaphore_mem>>)
        %dma_wait3A = arith.constant 0 : i32
        %dma_wait3A_137 = tpu.memref_slice %arg3[%mul3A_131, %dma_wait3A] : memref<2516x128xi32, #tpu.memory_space<hbm>> -> memref<16x128xi32, #tpu.memory_space<hbm>>
        %dma_wait3A_138 = arith.constant 0 : i32
        %dma_wait3A_139 = tpu.memref_slice %arg3[%mul3A_131, %dma_wait3A_138] : memref<2516x128xi32, #tpu.memory_space<hbm>> -> memref<16x128xi32, #tpu.memory_space<hbm>>
        tpu.wait_dma2 semaphore(%run_scoped3A : memref<!tpu.dma_semaphore, #tpu.memory_space<semaphore_mem>>) src(%dma_wait3A_139 : memref<16x128xi32, #tpu.memory_space<hbm>>) dst(%arg6 : memref<16x128xi32, #tpu.memory_space<vmem>>)
        tpu.yield
      }) : () -> ()
      "tpu.region"() ({
        %run_scoped3A = tpu.sem_alloc : memref<!tpu.dma_semaphore, #tpu.memory_space<semaphore_mem>>
        %dma_start3A = arith.constant 0 : i32
        %dma_start3A_134 = arith.constant 0 : i32
        %dma_start3A_135 = tpu.memref_slice %arg5[%dma_start3A, %dma_start3A_134] : memref<384x128xf32, #tpu.memory_space<vmem>> -> memref<128x128xf32, #tpu.memory_space<vmem>>
        %dma_start3A_136 = arith.constant 0 : i32
        %dma_start3A_137 = tpu.memref_slice %arg6[%sub3A_132, %dma_start3A_136] : memref<16x128xi32, #tpu.memory_space<vmem>> -> memref<1x128xi32, #tpu.memory_space<vmem>>
        %dma_start3A_138 = tpu.memref_squeeze %dma_start3A_137 : memref<1x128xi32, #tpu.memory_space<vmem>> -> memref<128xi32, #tpu.memory_space<vmem>>
        %dma_start3A_139 = arith.constant 0 : i32
        %dma_start3A_140 = arith.constant 0 : i32
        %dma_start3A_141 = tpu.memref_slice %arg7[%dma_start3A_139, %dma_start3A_140] : memref<4096x128xf32, #tpu.memory_space<vmem_shared>> -> memref<4096x128xf32, #tpu.memory_space<vmem_shared>>
        tpu.enqueue_indirect_dma source(%dma_start3A_135 : memref<128x128xf32, #tpu.memory_space<vmem>>) target(%dma_start3A_141 : memref<4096x128xf32, #tpu.memory_space<vmem_shared>>) offsets(%dma_start3A_138 : memref<128xi32, #tpu.memory_space<vmem>>) semaphore(%run_scoped3A : memref<!tpu.dma_semaphore, #tpu.memory_space<semaphore_mem>>) {add = true}
        %dma_wait3A = arith.constant 0 : i32
        %dma_wait3A_142 = arith.constant 0 : i32
        %dma_wait3A_143 = tpu.memref_slice %arg5[%dma_wait3A, %dma_wait3A_142] : memref<384x128xf32, #tpu.memory_space<vmem>> -> memref<128x128xf32, #tpu.memory_space<vmem>>
        %dma_wait3A_144 = arith.constant 0 : i32
        %dma_wait3A_145 = tpu.memref_slice %arg6[%sub3A_132, %dma_wait3A_144] : memref<16x128xi32, #tpu.memory_space<vmem>> -> memref<1x128xi32, #tpu.memory_space<vmem>>
        %dma_wait3A_146 = tpu.memref_squeeze %dma_wait3A_145 : memref<1x128xi32, #tpu.memory_space<vmem>> -> memref<128xi32, #tpu.memory_space<vmem>>
        %dma_wait3A_147 = arith.constant 0 : i32
        %dma_wait3A_148 = arith.constant 0 : i32
        %dma_wait3A_149 = tpu.memref_slice %arg7[%dma_wait3A_147, %dma_wait3A_148] : memref<4096x128xf32, #tpu.memory_space<vmem_shared>> -> memref<4096x128xf32, #tpu.memory_space<vmem_shared>>
        tpu.wait_indirect_dma semaphore(%run_scoped3A : memref<!tpu.dma_semaphore, #tpu.memory_space<semaphore_mem>>) src(%dma_wait3A_143 : memref<128x128xf32, #tpu.memory_space<vmem>>) dst(%dma_wait3A_149 : memref<4096x128xf32, #tpu.memory_space<vmem_shared>>)
        tpu.yield
      }) : () -> ()
      %while3A_133 = arith.constant 0 : i32
      scf.yield %while3A_133 : i32
    }
    %barrier3A_73 = arith.constant 0 : index
    tpu.barrier barrier_id(%barrier3A_73)
    "tpu.region"() ({
      %run_scoped3A = tpu.sem_alloc : memref<!tpu.dma_semaphore, #tpu.memory_space<semaphore_mem>>
      %dma_start3A = arith.constant 0 : i32
      %dma_start3A_74 = tpu.memref_slice %arg4[%arg0, %mul3A_8, %dma_start3A] : memref<2x4096x128xf32, #tpu.memory_space<hbm>> -> memref<1x256x128xf32, #tpu.memory_space<hbm>>
      %dma_start3A_75 = tpu.memref_squeeze %dma_start3A_74 : memref<1x256x128xf32, #tpu.memory_space<hbm>> -> memref<256x128xf32, #tpu.memory_space<hbm>>
      %dma_start3A_76 = arith.constant 0 : i32
      %dma_start3A_77 = tpu.memref_slice %arg7[%mul3A_8, %dma_start3A_76] : memref<4096x128xf32, #tpu.memory_space<vmem_shared>> -> memref<256x128xf32, #tpu.memory_space<vmem_shared>>
      tpu.enqueue_dma source(%dma_start3A_77 : memref<256x128xf32, #tpu.memory_space<vmem_shared>>) target(%dma_start3A_75 : memref<256x128xf32, #tpu.memory_space<hbm>>) target_semaphore(%run_scoped3A : memref<!tpu.dma_semaphore, #tpu.memory_space<semaphore_mem>>)
      %dma_wait3A = arith.constant 0 : i32
      %dma_wait3A_78 = tpu.memref_slice %arg4[%arg0, %mul3A_8, %dma_wait3A] : memref<2x4096x128xf32, #tpu.memory_space<hbm>> -> memref<1x256x128xf32, #tpu.memory_space<hbm>>
      %dma_wait3A_79 = tpu.memref_squeeze %dma_wait3A_78 : memref<1x256x128xf32, #tpu.memory_space<hbm>> -> memref<256x128xf32, #tpu.memory_space<hbm>>
      %dma_wait3A_80 = arith.constant 0 : i32
      %dma_wait3A_81 = tpu.memref_slice %arg7[%mul3A_8, %dma_wait3A_80] : memref<4096x128xf32, #tpu.memory_space<vmem_shared>> -> memref<256x128xf32, #tpu.memory_space<vmem_shared>>
      tpu.wait_dma2 semaphore(%run_scoped3A : memref<!tpu.dma_semaphore, #tpu.memory_space<semaphore_mem>>) src(%dma_wait3A_81 : memref<256x128xf32, #tpu.memory_space<vmem_shared>>) dst(%dma_wait3A_79 : memref<256x128xf32, #tpu.memory_space<hbm>>)
      tpu.yield
    }) : () -> ()
    return
  }
}

module attributes {stable_mosaic.version = 14 : i64} {
  func.func @body(%arg0: memref<2x4096x128xf32, #tpu.memory_space<vmem>>, %arg1: memref<2x4096x1xf32, #tpu.memory_space<vmem>>, %arg2: memref<128x128xf32, #tpu.memory_space<vmem>>, %arg3: memref<1x128xf32, #tpu.memory_space<vmem>>, %arg4: memref<4096x128xf32, #tpu.memory_space<vmem>>) attributes {dimension_semantics = [], scalar_prefetch = 0 : i64, scratch_operands = 0 : i64, tpu.core_type = #tpu.core_type<tc>} {
    %get3A = arith.constant 0 : index
    %get3A_0 = arith.constant 0 : index
    %get3A_1 = arith.constant 0 : index
    %get3A_2 = vector.load %arg0[%get3A, %get3A_0, %get3A_1] : memref<2x4096x128xf32, #tpu.memory_space<vmem>>, vector<1x4096x128xf32>
    %get3A_3 = vector.shape_cast %get3A_2 : vector<1x4096x128xf32> to vector<4096x128xf32>
    %get3A_4 = arith.constant 1 : index
    %get3A_5 = arith.constant 0 : index
    %get3A_6 = arith.constant 0 : index
    %get3A_7 = vector.load %arg0[%get3A_4, %get3A_5, %get3A_6] : memref<2x4096x128xf32, #tpu.memory_space<vmem>>, vector<1x4096x128xf32>
    %get3A_8 = vector.shape_cast %get3A_7 : vector<1x4096x128xf32> to vector<4096x128xf32>
    %add3A = arith.addf %get3A_3, %get3A_8 : vector<4096x128xf32>
    %get3A_9 = arith.constant 0 : index
    %get3A_10 = arith.constant 0 : index
    %get3A_11 = arith.constant 0 : index
    %get3A_12 = vector.load %arg1[%get3A_9, %get3A_10, %get3A_11] : memref<2x4096x1xf32, #tpu.memory_space<vmem>>, vector<1x4096x1xf32>
    %get3A_13 = vector.shape_cast %get3A_12 : vector<1x4096x1xf32> to vector<4096x1xf32>
    %get3A_14 = arith.constant 1 : index
    %get3A_15 = arith.constant 0 : index
    %get3A_16 = arith.constant 0 : index
    %get3A_17 = vector.load %arg1[%get3A_14, %get3A_15, %get3A_16] : memref<2x4096x1xf32, #tpu.memory_space<vmem>>, vector<1x4096x1xf32>
    %get3A_18 = vector.shape_cast %get3A_17 : vector<1x4096x1xf32> to vector<4096x1xf32>
    %add3A_19 = arith.addf %get3A_13, %get3A_18 : vector<4096x1xf32>
    %max3A = arith.constant 1.000000e+00 : f32
    %max3A_20 = vector.broadcast %max3A : f32 to vector<4096x1xf32>
    %max3A_21 = arith.maximumf %add3A_19, %max3A_20 : vector<4096x1xf32>
    %div3A = vector.broadcast %max3A_21 : vector<4096x1xf32> to vector<4096x128xf32>
    %div3A_22 = arith.divf %add3A, %div3A : vector<4096x128xf32>
    %get3A_23 = arith.constant 0 : index
    %get3A_24 = arith.constant 0 : index
    %get3A_25 = vector.load %arg2[%get3A_23, %get3A_24] : memref<128x128xf32, #tpu.memory_space<vmem>>, vector<128x128xf32>
    %transpose3A = tpu.transpose %get3A_25, [1, 0] : vector<128x128xf32> -> vector<128x128xf32>
    %dot_general3A = arith.constant dense<0.000000e+00> : vector<4096x128xf32>
    %dot_general3A_26 = tpu.matmul %div3A_22, %transpose3A, %dot_general3A {dimension_numbers = #tpu.dot_dimension_numbers<[1], [0], [0], [1], [0, 0, 1, 1], [], []>, transpose_lhs_hint = false} : vector<4096x128xf32>, vector<128x128xf32>, vector<4096x128xf32> -> vector<4096x128xf32>
    %get3A_27 = arith.constant 0 : index
    %get3A_28 = arith.constant 0 : index
    %get3A_29 = vector.load %arg3[%get3A_27, %get3A_28] : memref<1x128xf32, #tpu.memory_space<vmem>>, vector<1x128xf32>
    %add3A_30 = vector.broadcast %get3A_29 : vector<1x128xf32> to vector<4096x128xf32>
    %add3A_31 = arith.addf %dot_general3A_26, %add3A_30 : vector<4096x128xf32>
    %swap3A = arith.constant 0 : index
    %swap3A_32 = arith.constant 0 : index
    %swap3A_33 = vector.load %arg4[%swap3A, %swap3A_32] : memref<4096x128xf32, #tpu.memory_space<vmem>>, vector<4096x128xf32>
    tpu.vector_store %arg4[%swap3A, %swap3A_32], %add3A_31 {strides = array<i32>} : memref<4096x128xf32, #tpu.memory_space<vmem>>, vector<4096x128xf32>,
    return
  }
}

</mosaic_0001>

<sc_bundles>
// kernel: kernel.5.cloned.1.call-start
scs
__scs_entry_jumppad:
0x0: {  	(pc) =	sbr.rel $0x88, $3  }
0x1: {  	(tag) =	ssettag $0x0;
	lr =	simm.s32 $0x1  }
0x2: {  	[smem:$0x3F9D] =	sst lr;
	_ =	strace $0xD0000000  }
0x3: {  	_ = 	snop  }
0x4: {  	_ = 	snop  }
0x5: {  	_ = 	snop  }
0x6: {  	_ = 	snop  }
0x7: {  	_ = 	snop  }
__scs_overlays_trampoline_lowered:
0x8: {  	[smem:$0x3FAC] =	sst s0  }
0x9: {  	[smem:$0x3FAD] =	sst s1  }
0xa: {  	[smem:$0x3FAE] =	sst s2  }
0xb: {  	[smem:$0x3FAF] =	sst s3  }
0xc: {  	[smem:$0x3FB0] =	sst s4  }
0xd: {  	[smem:$0x3FB1] =	sst s5  }
0xe: {  	[smem:$0x3FB2] =	sst s6  }
0xf: {  	[smem:$0x3FB3] =	sst s7  }
0x10: {  	[smem:$0x3FB4] =	sst s8  }
0x11: {  	[smem:$0x3FB5] =	sst s9;
	s0 =	simm.s32 @!p0 $0x0  }
0x12: {  	s1 =	sld [smem:$0x3F9B];
	s0 =	simm.s32 @p0 $0x1  }
0x13: {  	[smem:$0x3FB6] =	sst s0;
	s0 =	simm.s32 @!p1 $0x0  }
0x14: {  	s2 =	sld [smem:$0x3F9A];
	s0 =	simm.s32 @p1 $0x1  }
0x15: {  	[smem:$0x3FB7] =	sst s0;
	s0 =	simm.s32 @!p2 $0x0  }
0x16: {  	s3 =	sld [smem:$0x3FDB];
	s0 =	simm.s32 @p2 $0x1  }
0x17: {  	s4 =	simm.s32 $0x1BF5;
	[smem:$0x3FB9] =	sst s0  }
0x18: {  	s0 =	sld [smem:$0x3F9C];
	_ =	swait.ge [sflag:s4], $0x0  }
0x19: {  	s7 =	sld [smem:$0x3F9D]  }
0x1a: {  	s8 =	sadd.s32 $0xFFFFE003, lr  }
0x1b: {  	s9 =	sadd.s32 $0xFFFFFEF7, lr;
	s5 =	simm.s32 $0xFFFFFFFF;
	p2 =	slt.u32 s8, $0xFFFFF086  }
0x1c: {  	p1 =	slt.u32 s9, $0xF7A;
	s5 =	simm.s32 @!p2 $0x0  }
0x1d: {  	s5 =	simm.s32 @p1 $0x1;
	p0 =	seq.s32 s7, s2  }
0x1e: {  	s7 =	smul.u32 @!p0 $0xF7A, s2;
	p2 =	seq.s32 @!p0 s5, $0x0  }
0x1f: {  	s9 =	smul.u32 $0xF7A, s1;
	s8 =	simm.s32 @!p0 $0x1BF5;
	p2 =	por !p2, p0  }
0x20: {  	[sflag:s8] =	ssyncset.s32 @!p0 $0xFFFFF086;
	s6 =	sadd.s32 @!p0 s3, s7;
	s7 =	simm.s32 @!p0 $0x108  }
0x21: {  	s3 =	sadd.s32 s3, s9;
	s6 =	sadd.s32 @!p0 $0x88, s6;
	s7 =	simm.s32 @p2 $0x1082  }
0x22: {  	[simem:s7], [sflag:s8] =	dma.local @!p0 [hbm:s6], $0xF7A  }
0x23: {  	s9 =	sor.u32 $0xD0000000, s2;
	s6 =	simm.s32 $0x108;
	_ =	swait.ge @!p0 [sflag:s8], $0x0  }
0x24: {  	s3 =	sadd.s32 $0x88, s3;
	s6 =	simm.s32 @!p1 $0x1082;
	[sflag:s4] =	ssyncset.s32 $0xFFFFF086  }
0x25: {  	[simem:s6], [sflag:s4] =	dma.local [hbm:s3], $0xF7A  }
0x26: {  	[smem:$0x3F9D] =	sst s1;
	(tag) =	ssettag s2;
	_ =	strace s9  }
0x27: {  	s1 =	sld [smem:$0x3FAD]  }
0x28: {  	s2 =	sld [smem:$0x3FAE]  }
0x29: {  	s4 =	sld [smem:$0x3FB0]  }
0x2a: {  	p0 =	seq.s32 s5, $0x0;
	s5 =	sld [smem:$0x3FB1]  }
0x2b: {  	s6 =	sld [smem:$0x3FB2]  }
0x2c: {  	s7 =	sld [smem:$0x3FB3]  }
0x2d: {  	s3 =	simm.s32 $0x108;
	s8 =	sld [smem:$0x3FB4]  }
0x2e: {  	s3 =	simm.s32 @!p0 $0x1082;
	s9 =	sld [smem:$0x3FB5]  }
0x2f: {  	lr =	sadd.s32 s0, s3;
	s0 =	sld [smem:$0x3FAC]  }
0x30: {  	s3 =	sld [smem:$0x3FAF]  }
0x31: {  	[smem:$0x3FB8] =	sst s10  }
0x32: {  	s10 =	sld [smem:$0x3FB6];
	_ =	sdelay $0x3  }
0x33: {  	p0 =	seq.s32 s10, $0x1;
	s10 =	sld [smem:$0x3FB8];
	_ =	sdelay $0x3  }
0x34: {  	[smem:$0x3FB8] =	sst s10  }
0x35: {  	s10 =	sld [smem:$0x3FB7];
	_ =	sdelay $0x3  }
0x36: {  	p1 =	seq.s32 s10, $0x1;
	s10 =	sld [smem:$0x3FB8];
	_ =	sdelay $0x3  }
0x37: {  	[smem:$0x3FB8] =	sst s10  }
0x38: {  	s10 =	sld [smem:$0x3FB9]  }
0x39: {  	_ = 	snop;
	(pc) =	sbr.ind lr, $3  }
0x3a: {  	_ = 	snop  }
0x3b: {  	_ = 	snop  }
0x3c: {  	p2 =	seq.s32 s10, $0x1;
	s10 =	sld [smem:$0x3FB8]  }
0x3d: {  	_ =	shalt  }
0x3e: {  	_ =	shalt  }
0x3f: {  	_ =	shalt  }
0x40: {  	_ =	shalt  }
0x41: {  	_ =	shalt  }
0x42: {  	_ =	shalt  }
0x43: {  	_ =	shalt  }
0x44: {  	_ =	shalt  }
0x45: {  	_ =	shalt  }
0x46: {  	_ =	shalt  }
0x47: {  	_ =	shalt  }
0x48: {  	_ =	shalt  }
0x49: {  	_ =	shalt  }
0x4a: {  	_ =	shalt  }
0x4b: {  	_ =	shalt  }
0x4c: {  	_ =	shalt  }
0x4d: {  	_ =	shalt  }
0x4e: {  	_ =	shalt  }
0x4f: {  	_ =	shalt  }
0x50: {  	_ =	shalt  }
0x51: {  	_ =	shalt  }
0x52: {  	_ =	shalt  }
0x53: {  	_ =	shalt  }
0x54: {  	_ =	shalt  }
0x55: {  	_ =	shalt  }
0x56: {  	_ =	shalt  }
0x57: {  	_ =	shalt  }
0x58: {  	_ =	shalt  }
0x59: {  	_ =	shalt  }
0x5a: {  	_ =	shalt  }
0x5b: {  	_ =	shalt  }
0x5c: {  	_ =	shalt  }
0x5d: {  	_ =	shalt  }
0x5e: {  	_ =	shalt  }
0x5f: {  	_ =	shalt  }
0x60: {  	_ =	shalt  }
0x61: {  	_ =	shalt  }
0x62: {  	_ =	shalt  }
0x63: {  	_ =	shalt  }
0x64: {  	_ =	shalt  }
0x65: {  	_ =	shalt  }
0x66: {  	_ =	shalt  }
0x67: {  	_ =	shalt  }
0x68: {  	_ =	shalt  }
0x69: {  	_ =	shalt  }
0x6a: {  	_ =	shalt  }
0x6b: {  	_ =	shalt  }
0x6c: {  	_ =	shalt  }
0x6d: {  	_ =	shalt  }
0x6e: {  	_ =	shalt  }
0x6f: {  	_ =	shalt  }
0x70: {  	_ =	shalt  }
0x71: {  	_ =	shalt  }
0x72: {  	_ =	shalt  }
0x73: {  	_ =	shalt  }
0x74: {  	_ =	shalt  }
0x75: {  	_ =	shalt  }
0x76: {  	_ =	shalt  }
0x77: {  	_ =	shalt  }
0x78: {  	_ =	shalt  }
0x79: {  	_ =	shalt  }
0x7a: {  	_ =	shalt  }
0x7b: {  	_ =	shalt  }
0x7c: {  	_ =	shalt  }
0x7d: {  	_ =	shalt  }
0x7e: {  	_ =	shalt  }
0x7f: {  	_ =	shalt  }
0x80: {  	_ =	shalt  }
0x81: {  	_ =	shalt  }
0x82: {  	_ =	shalt  }
0x83: {  	_ =	shalt  }
0x84: {  	_ =	shalt  }
0x85: {  	_ =	shalt  }
0x86: {  	_ =	shalt  }
0x87: {  	_ =	shalt  }
.Lfunc_end0:
.L_simem_size_0:
called_computation_lowered:
.L_overlay_start_0:
0x88: {  	s2 =	sld [smem:$0x3FD9]  }
0x89: {  	s3 =	sld [smem:$0x3FFE];
	_ =	sdelay $0x1  }
0x8a: {  	s1 =	srdreg.scid  }
0x8b: {  	s0 =	sand.u32 $0x1, s1  }
0x8c: {  	s17 =	sshll.u32 s0, $0xA;
	s2 =	sadd.s32 s3, s2  }
0x8d: {  	s2 =	sadd.s32 s2, s17  }
0x8e: {  	[smem:$0x3FC4] =	sst s2  }
0x8f: {  	_ = 	snop  }
0x90: {  	s18 =	sld [smem:$0x3FC9]  }
0x91: {  	s4 =	sld [smem:$0x3FD0];
	(tm) =	ssettm $0x1  }
0x92: {  	s19 =	sld [smem:$0x3FFB];
	_ =	sdelay $0x3  }
0x93: {  	_ =	strace s19  }
0x94: {  	s2 =	sld [smem:$0x3FFC];
	_ =	sdelay $0x3  }
0x95: {  	_ =	strace s2  }
0x96: {  	s2 =	sld [smem:$0x3FFD];
	_ =	sdelay $0x3  }
0x97: {  	_ =	strace s2  }
0x98: {  	_ =	strace $0x8FFFFFFF  }
0x99: {  	s20 =	sld [smem:$0x3FDB];
	_ =	sdelay $0x1  }
0x9a: {  	s5 =	simm.s32 $_scs_section_size  }
0x9b: {  	s6 =	simm.s32 $_size__tile_overlayer_lowered;
	s7 =	simm.s32 $_tile_overlayer_lowered  }
0x9c: {  	s8 =	simm.s32 $0x1BFF;
	s21 =	sshll.u32 s7, $0x1;
	s5 =	sadd.s32 s5, s20  }
0x9d: {  	s22 =	simm.s32 $0x0;
	s6 =	sshll.u32 s6, $0x1;
	s7 =	sadd.s32 s21, s5  }
0x9e: {  	[timem:s22], [sflag:s8] =	dma.local [hbm:s7], s6  }
0x9f: {  	_ =	swait.ge [sflag:s8], s6  }
0xa0: {  	s6 =	ssub.s32 $0x0, s6;
	[sflag:s8] =	ssyncset.done $0x0  }
0xa1: {  	[sflag:s8] =	ssyncadd.s32 s6;
	_ =	sdelay $0x1  }
0xa2: {  	s23 =	simm.s32 $0x1B8B  }
0xa3: {  	_ =	swait.ge [sflag:s23], $0x1  }
0xa4: {  	[sflag:s23] =	ssyncset.done $0x0  }
0xa5: {  	[sflag:s23] =	ssyncadd.s32 $0xFFFFFFFF  }
0xa6: {  	s6 =	sld [smem:$0x0]  }
0xa7: {  	s7 =	sand.u32 $0xFFFFFFFE, s1  }
0xa8: {  	p0 =	sne.s32 s1, s7  }
0xa9: {  	s7 =	sshll.u32 @p0 s7, $0xE  }
0xaa: {  	s7 =	sadd.s32 @p0 $0x11B8D, s7;
	s8 =	sshll.u32 @p0 s6, $0x11  }
0xab: {  	s7 =	sor.u32 @p0 s8, s7  }
0xac: {  	[sflag:s7] =	ssyncadd.remote.s32 @p0 $0x1;
	_ =	sdelay $0x1  }
0xad: {  	s7 =	simm.s32 @p0 $0x1B8D  }
0xae: {  	_ =	swait.eq @p0 [sflag:s7], $0x1  }
0xaf: {  	[sflag:s7] =	ssyncadd.s32 @p0 $0xFFFFFFFF  }
0xb0: {  	s8 =	sshll.u32 @!p0 s1, $0xE  }
0xb1: {  	s8 =	sor.u32 @!p0 $0x4000, s8;
	s7 =	simm.s32 @!p0 $0x1B8D  }
0xb2: {  	s6 =	sshll.u32 @!p0 s6, $0x11;
	s8 =	sadd.s32 @!p0 $0x11B8D, s8;
	_ =	swait.eq @!p0 [sflag:s7], $0x1  }
0xb3: {  	s6 =	sor.u32 @!p0 s6, s8;
	[sflag:s7] =	ssyncadd.s32 @!p0 $0xFFFFFFFF  }
0xb4: {  	s25 =	simm.s32 $0x1B8E;
	s24 =	sld [smem:$0x3FFE];
	[sflag:s6] =	ssyncadd.remote.s32 @!p0 $0x1  }
0xb5: {  	s26 =	simm.s32 $execute0_lowered;
	[smem:$0x3FD2] =	sst s25  }
0xb6: {  	s7 =	sshll.u32 s26, $0x1;
	_ =	strace $0x80000049;
	[dreg:$0x1] =	wrdreg $0xFFFFFFFF  }
0xb7: {  	s28 =	simm.s32 $_size_execute0_lowered;
	s5 =	sadd.s32 s5, s7;
	[dreg:$0x0] =	wrdreg $0x0  }
0xb8: {  	s7 =	sshll.u32 s28, $0x1;
	[dreg:$0x2] =	wrdreg s5  }
0xb9: {  	[dreg:$0x3] =	wrdreg s7  }
0xba: {  	[dreg:$0x4] =	wrdreg $0xC0  }
0xbb: {  	_ =	task [dreg:s22], $0x5FFFF  }
0xbc: {  	[dreg:$0x1] =	wrdreg $0xFFFFFFFF  }
0xbd: {  	[dreg:$0x0] =	wrdreg $0x60  }
0xbe: {  	[dreg:$0x2] =	wrdreg s18  }
0xbf: {  	[dreg:$0x3] =	wrdreg s4  }
0xc0: {  	[dreg:$0x4] =	wrdreg s24  }
0xc1: {  	[dreg:$0x5] =	wrdreg $0xC8000  }
0xc2: {  	[dreg:$0x6] =	wrdreg $0x9  }
0xc3: {  	_ =	task.clear_ibuf [dreg:s22], $0x7FFFF;
	_ =	strace $0x90000049  }
0xc4: {  	s29 =	simm.s32 $0x9;
	_ =	strace $0x8000004B  }
0xc5: {  	_ =	swait.ge [sflag:s29], $0x1  }
0xc6: {  	[sflag:s29] =	ssyncadd.s32 $0xFFFFFFFF  }
0xc7: {  	_ =	strace $0x9000004B  }
0xc8: {  	_ =	sfence  }
0xc9: {  	s30 =	sld [smem:$0x0];
	_ =	sdelay $0x2  }
0xca: {  	s31 =	sshll.u32 s1, $0xD;
	s1 =	sshrl.u32 s1, $0x2  }
0xcb: {  	s4 =	sand.u32 $0x4000, s31;
	s1 =	sadd.s32 s1, s30  }
0xcc: {  	s0 =	sor.u32 s4, s0;
	s1 =	sshll.u32 s1, $0x11  }
0xcd: {  	s0 =	sor.u32 s1, s0  }
0xce: {  	s0 =	sadd.s32 $0x8F2B, s0  }
0xcf: {  	[sflag:s0] =	ssyncadd.remote.s32 $0x1  }
0xd0: {  	_ =	sfence.sel $0xFFFF  }
0xd1: {  	[dreg:$0x0] =	wrdreg $0xFFFFFFFF;
	(pc) =	sbr.abs _section_cstart, $3  }
0xd2: {  	[dreg:$0x1] =	wrdreg $0xFFFFFFFF  }
0xd3: {  	_ =	task.clear_ibuf [dreg:s22], $0x2FFFF;
	_ =	strace $0x9FFFFFFF  }
0xd4: {  	(tm) =	ssettm $0x7FFFFFFF  }
0xd5: {  	_ =	shalt  }
tec
execute0_lowered:
.L_overlay_start_1:
0x0: {  	(tag) =	ssettag $0x1  }
0x1: {  	s13 =	rddreg [dreg:$0x0]  }
0x2: {  	s0 =	rddreg [dreg:$0x1]  }
0x3: {  	s5 =	rddreg [dreg:$0x2]  }
0x4: {  	s1 =	srdreg.scid;
	s3 =	rddreg [dreg:$0x3]  }
0x5: {  	s4 =	simm.s32 $0x0;
	s10 =	sand.u32 $0x1, s1;
	s1 =	rddreg [dreg:$0x4]  }
0x6: {  	s2 =	stileid.u32;
	[smem:$0x7FF] =	sst s4  }
0x7: {  	s8 =	sshll.u32 s2, $0xC;
	s25 =	sshll.u32 s2, $0xF;
	s29 =	smul.u32 $0x4E, s2  }
0x8: {  	s18 =	smul.u32 $0x4E0, s2;
	s6 =	sshll.u32 s10, $0x4;
	_ =	strace $0x8000004A  }
0x9: {  	s7 =	ssub.s32 $0x2, s10;
	s11 =	sadd.s32 s8, s5;
	s15 =	smul.u32 $0x4E0, s10  }
0xa: {  	s5 =	sadd.s32 s25, s3;
	s17 =	smul.u32 $0x4E00, s10;
	s19 =	sor.u32 s2, s6  }
0xb: {  	s28 =	sshll.u32 s10, $0x10;
	s9 =	sshrl.u32 s7, $0x1;
	s6 =	smul.u32 $0x4E, s19  }
0xc: {  	s12 =	smin.u32 s19, $0x4;
	s14 =	ssub.s32 s7, s9;
	s9 =	sadd.s32 s28, s11  }
0xd: {  	s31 =	sadd.s32 s18, s17;
	s17 =	simm.s32 $0x4000;
	s18 =	simm.s32 $0x8000  }
0xe: {  	p0 =	sgt.u32 s19, $0x3;
	s19 =	simm.s32 $0x0;
	s9 =	sadd.s32 $0x1200, s9  }
0xf: {  	s16 =	sor.u32 s15, s12;
	s15 =	sadd.s32 s29, s15;
	s10 =	smax.u32 s14, $0x1  }
0x10: {  	s6 =	sadd.s32 s12, s6;
	s16 =	sadd.s32 s29, s16;
	s30 =	sadd.s32 s12, s15  }
0x11: {  	s12 =	sshll.u32 s12, $0x4;
	s15 =	simm.s32 $0xC000;
	s24 =	sadd.s32 $0x4E, s6  }
0x12: {  	s11 =	sshll.u32 s16, $0x9;
	s14 =	sshll.u32 s30, $0xB;
	s12 =	sadd.s32 s12, s31  }
0x13: {  	s16 =	simm.s32 $0x80;
	s6 =	sshll.u32 s24, $0xB;
	s26 =	sshll.u32 s24, $0x4  }
0x14: {  	s8 =	sshll.u32 s24, $0x7;
	s6 =	sand.u32 $0x1FFFF800, s6;
	s7 =	sand.u32 $0x1FFFFF80, s26  }
0x15: {  	s8 =	sand.u32 $0x380, s8;
	s6 =	sadd.s32 s13, s6;
	s7 =	sadd.s32 s0, s7  }
0x16: {  	v0 =	vimm.f32 $0.0e+00;
	s8 =	sor.u32 $0xC000, s8;
	s13 =	sadd.s32 s14, s13;
	s14 =	simm.s32 $0x1  }
.LBB2_1:
0x17: {  	s20 =	simm.s32 $0x0;
	s21 =	simm.s32 $0x200  }
.LBB2_2:
0x18: {  	p1 =	sne.s32 s21, $0x1FE00;
	[tilespmem:s20+$0x70] =	vst v0  }
0x19: {  	[tilespmem:s20+$0x0] =	vst v0  }
0x1a: {  	[tilespmem:s20+$0x10] =	vst v0  }
.Ltmp0:
0x1b: {  	[tilespmem:s20+$0x20] =	vst v0;
	(pc) =	sbr.rel @p1 .LBB2_2-.Ltmp0, $4  }
0x1c: {  	[tilespmem:s20+$0x30] =	vst v0  }
0x1d: {  	[tilespmem:s20+$0x40] =	vst v0  }
0x1e: {  	[tilespmem:s20+$0x50] =	vst v0  }
0x1f: {  	[tilespmem:s20+$0x60] =	vst v0;
	s20 =	sshra.s32 s21, $0x2;
	s21 =	sadd.s32 $0x200, s21  }
0x20: {  	[tilespmem:s20+$0x70] =	vst v0  }
0x21: {  	[tilespmem:s20+$0x0] =	vst v0  }
0x22: {  	[tilespmem:s20+$0x10] =	vst v0  }
0x23: {  	[tilespmem:s20+$0x20] =	vst v0  }
0x24: {  	[tilespmem:s20+$0x30] =	vst v0  }
0x25: {  	[tilespmem:s20+$0x40] =	vst v0  }
0x26: {  	[tilespmem:s20+$0x50] =	vst v0  }
0x27: {  	[tilespmem:s20+$0x60] =	vst v0;
	s28 =	simm.s32 $0x0  }
0x28: {  	[spmem:s5] =	stream.linear.scatter [tilespmem:s28], [sflag:$0x1], $0x8000, $0x38;
	[tilespmem:$0x14800] =	vst v63  }
0x29: {  	_ =	swait.ge [sflag:s14], $0x8000  }
0x2a: {  	[sflag:s14] =	ssyncset.done $0x0  }
0x2b: {  	[sflag:s14] =	ssyncadd.s32 $0xFFFF8000  }
0x2c: {  	[bflag:$0x0] =	sbarrier.arrive $0xFFFF  }
0x2d: {  	[tilespmem:s4], [sflag:$0x1] =	stream.linear.gather [hbm4b:s13+s4], $0xC000, $0x38;
	[tilespmem:$0x14800] =	vst v63  }
0x2e: {  	s29 =	sadd.s32 $0x0, s12;
	_ =	swait.ge [sflag:s14], $0xC000  }
0x2f: {  	s20 =	sand.u32 $0x1FFFFF80, s29;
	[sflag:s14] =	ssyncset.done $0x0  }
0x30: {  	s20 =	sadd.s32 s0, s20;
	[sflag:s14] =	ssyncadd.s32 $0xFFFF4000  }
0x31: {  	[tilespmem:s15], [sflag:$0x1] =	stream.linear.gather [hbm4b:s20+s4], $0x800, $0x38;
	[tilespmem:$0x14800] =	vst v63  }
0x32: {  	s30 =	sshrl.u32 s11, $0x2;
	_ =	swait.ge [sflag:s14], $0x800  }
0x33: {  	s20 =	sand.u32 $0x380, s30;
	[sflag:s14] =	ssyncset.done $0x0  }
0x34: {  	s21 =	sor.u32 $0xC000, s20;
	[sflag:s14] =	ssyncadd.s32 $0xFFFFF800  }
0x35: {  	[spmem:s3] =	stream.indirect.scatter.add.f32 [tilespmem:s4], [sflag:$0x1], $0x80, s21, s16, $0xb8;
	[tilespmem:$0x14800] =	vst v63  }
0x36: {  	_ =	swait.ge [sflag:s14], $0x4000  }
0x37: {  	[sflag:s14] =	ssyncset.done $0x0  }
0x38: {  	s31 =	sadd.s32 $0xC080, s20;
	[sflag:s14] =	ssyncadd.s32 $0xFFFFC000  }
0x39: {  	[spmem:s3] =	stream.indirect.scatter.add.f32 [tilespmem:s17], [sflag:$0x1], $0x80, s31, s16, $0xb8;
	[tilespmem:$0x14800] =	vst v63  }
0x3a: {  	_ =	swait.ge [sflag:s14], $0x4000  }
0x3b: {  	[sflag:s14] =	ssyncset.done $0x0  }
0x3c: {  	s20 =	sadd.s32 $0xC100, s20;
	[sflag:s14] =	ssyncadd.s32 $0xFFFFC000  }
0x3d: {  	[spmem:s3] =	stream.indirect.scatter.add.f32 [tilespmem:s18], [sflag:$0x1], $0x80, s20, s16, $0xb8;
	[tilespmem:$0x14800] =	vst v63  }
0x3e: {  	s22 =	smov.u32 s13;
	_ =	swait.ge [sflag:s14], $0x4000  }
0x3f: {  	s21 =	smov.u32 s11;
	s20 =	simm.s32 $0x30;
	[sflag:s14] =	ssyncset.done $0x0  }
.LBB2_4:
0x40: {  	[sflag:s14] =	ssyncadd.s32 $0xFFFFC000;
	s21 =	sadd.s32 $0x600, s21;
	s22 =	sadd.s32 $0x1800, s22  }
0x41: {  	[tilespmem:s4], [sflag:$0x1] =	stream.linear.gather [hbm4b:s22+s4], $0xC000, $0x38;
	[tilespmem:$0x14800] =	vst v63  }
0x42: {  	s23 =	sadd.s32 s20, s12;
	p1 =	seq.s32 s20, $0x4B0;
	_ =	swait.ge [sflag:s14], $0xC000  }
0x43: {  	s20 =	sadd.s32 $0x30, s20;
	s23 =	sand.u32 $0x1FFFFF80, s23;
	[sflag:s14] =	ssyncset.done $0x0  }
0x44: {  	s23 =	sadd.s32 s0, s23;
	[sflag:s14] =	ssyncadd.s32 $0xFFFF4000  }
0x45: {  	[tilespmem:s15], [sflag:$0x1] =	stream.linear.gather [hbm4b:s23+s4], $0x800, $0x38;
	[tilespmem:$0x14800] =	vst v63  }
0x46: {  	s23 =	sshrl.u32 s21, $0x2;
	_ =	swait.ge [sflag:s14], $0x800  }
0x47: {  	s23 =	sand.u32 $0x380, s23;
	[sflag:s14] =	ssyncset.done $0x0  }
0x48: {  	s24 =	sor.u32 $0xC000, s23;
	[sflag:s14] =	ssyncadd.s32 $0xFFFFF800  }
0x49: {  	[spmem:s3] =	stream.indirect.scatter.add.f32 [tilespmem:s4], [sflag:$0x1], $0x80, s24, s16, $0xb8;
	[tilespmem:$0x14800] =	vst v63  }
0x4a: {  	_ =	swait.ge [sflag:s14], $0x4000  }
0x4b: {  	[sflag:s14] =	ssyncset.done $0x0  }
0x4c: {  	s24 =	sadd.s32 $0xC080, s23;
	[sflag:s14] =	ssyncadd.s32 $0xFFFFC000  }
0x4d: {  	[spmem:s3] =	stream.indirect.scatter.add.f32 [tilespmem:s17], [sflag:$0x1], $0x80, s24, s16, $0xb8;
	[tilespmem:$0x14800] =	vst v63  }
0x4e: {  	_ =	swait.ge [sflag:s14], $0x4000  }
.Ltmp1:
0x4f: {  	[sflag:s14] =	ssyncset.done $0x0;
	(pc) =	sbr.rel @!p1 .LBB2_4-.Ltmp1, $4  }
0x50: {  	s23 =	sadd.s32 $0xC100, s23;
	[sflag:s14] =	ssyncadd.s32 $0xFFFFC000  }
0x51: {  	[spmem:s3] =	stream.indirect.scatter.add.f32 [tilespmem:s18], [sflag:$0x1], $0x80, s23, s16, $0xb8;
	[tilespmem:$0x14800] =	vst v63  }
0x52: {  	_ =	swait.ge [sflag:s14], $0x4000  }
0x53: {  	[sflag:s14] =	ssyncset.done $0x0  }
0x54: {  	[sflag:s14] =	ssyncadd.s32 $0xFFFFC000;
	s20 =	simm.s32 @!p0 $0x0;
	s21 =	simm.s32 @!p0 $0x1  }
0x55: {  	[tilespmem:s20], [sflag:$0x1] =	stream.linear.gather @!p0 [hbm4b:s6+s20], $0x4000, $0x38;
	[tilespmem:$0x14800] =	vst v63  }
0x56: {  	_ =	swait.ge @!p0 [sflag:s21], $0x4000  }
0x57: {  	[sflag:s21] =	ssyncset.done @!p0 $0x0  }
0x58: {  	s22 =	simm.s32 @!p0 $0xC000;
	[sflag:s21] =	ssyncadd.s32 @!p0 $0xFFFFC000  }
0x59: {  	[tilespmem:s22], [sflag:$0x1] =	stream.linear.gather @!p0 [hbm4b:s7+s20], $0x800, $0x38;
	[tilespmem:$0x14800] =	vst v63  }
0x5a: {  	_ =	swait.ge @!p0 [sflag:s21], $0x800  }
0x5b: {  	[sflag:s21] =	ssyncset.done @!p0 $0x0  }
0x5c: {  	s22 =	simm.s32 @!p0 $0x80;
	[sflag:s21] =	ssyncadd.s32 @!p0 $0xFFFFF800  }
0x5d: {  	[spmem:s3] =	stream.indirect.scatter.add.f32 @!p0 [tilespmem:s20], [sflag:$0x1], $0x80, s8, s22, $0xb8;
	[tilespmem:$0x14800] =	vst v63  }
0x5e: {  	_ =	swait.ge @!p0 [sflag:s21], $0x4000  }
0x5f: {  	s30 =	sshll.u32 s2, $0x6;
	s19 =	sadd.s32 $0x1, s19;
	[sflag:s21] =	ssyncset.done @!p0 $0x0  }
0x60: {  	s31 =	sshrl.u32 s5, $0x3;
	p1 =	sne.s32 s19, s10;
	[sflag:s21] =	ssyncadd.s32 @!p0 $0xFFFFC000  }
.Ltmp2:
0x61: {  	s20 =	sor.u32 $0x1C01, s30;
	[bflag:$0x0] =	sbarrier.arrive $0xFFFF;
	(pc) =	sbr.rel @p1 .LBB2_1-.Ltmp2, $4  }
0x62: {  	[hbm:s9], [sflag:s20] =	dma.local [spmem:s31], $0x1000  }
0x63: {  	_ =	swait.ge [sflag:s14], $0x1000  }
0x64: {  	[sflag:s14] =	ssyncset.done $0x0  }
0x65: {  	[sflag:s14] =	ssyncadd.s32 $0xFFFFF000  }
0x66: {  	_ =	sfence.sel $0x180000  }
0x67: {  	[bflag:$0x0] =	sbarrier.arrive $0xFFFF  }
0x68: {  	p0 =	sne.s32 s2, $0x0;
	_ =	strace $0x9000004A  }
0x69: {  	s0 =	sadd.s32 @!p0 $0x100000, s1;
	[bflag:$0x2] =	sbarrier.arrive $0xFFFF  }
0x6a: {  	[sflag:s0] =	ssyncadd.tile.s32 @!p0 $0x1;
	_ =	shalt  }
.Lfunc_end2:
_tile_overlayer_lowered:
.L_overlay_start_2:
0x6b: {  	(tag) =	ssettag $0x2  }
0x6c: {  	s0 =	rddreg [dreg:$0x0];
	s2 =	stileid.u32  }
0x6d: {  	s1 =	rddreg [dreg:$0x1];
	p0 =	sne.s32 s2, $0x0  }
0x6e: {  	s3 =	rddreg [dreg:$0x2];
	[bflag:$0x3] =	sbarrier.arrive $0xFFFF;
	s2 =	simm.s32 @!p0 $0x1C01  }
0x6f: {  	[timem:s3], [sflag:s2] =	dma.local @!p0 [hbm:s0], s1  }
0x70: {  	s0 =	simm.s32 @!p0 $0x1  }
0x71: {  	_ =	swait.ge @!p0 [sflag:s0], s1  }
0x72: {  	s1 =	ssub.s32 @!p0 $0x0, s1;
	[sflag:s0] =	ssyncset.done @!p0 $0x0  }
0x73: {  	[sflag:s0] =	ssyncadd.s32 @!p0 s1  }
0x74: {  	[bflag:$0x3] =	sbarrier.arrive $0xFFFF  }
0x75: {  	_ =	shalt  }

// kernel: kernel.8.cloned.1.call-start
scs
__scs_entry_jumppad:
0x0: {  	(pc) =	sbr.rel $0x88, $3  }
0x1: {  	(tag) =	ssettag $0x0;
	lr =	simm.s32 $0x1  }
0x2: {  	[smem:$0x3F9D] =	sst lr;
	_ =	strace $0xD0000000  }
0x3: {  	_ = 	snop  }
0x4: {  	_ = 	snop  }
0x5: {  	_ = 	snop  }
0x6: {  	_ = 	snop  }
0x7: {  	_ = 	snop  }
__scs_overlays_trampoline_lowered:
0x8: {  	[smem:$0x3FAC] =	sst s0  }
0x9: {  	[smem:$0x3FAD] =	sst s1  }
0xa: {  	[smem:$0x3FAE] =	sst s2  }
0xb: {  	[smem:$0x3FAF] =	sst s3  }
0xc: {  	[smem:$0x3FB0] =	sst s4  }
0xd: {  	[smem:$0x3FB1] =	sst s5  }
0xe: {  	[smem:$0x3FB2] =	sst s6  }
0xf: {  	[smem:$0x3FB3] =	sst s7  }
0x10: {  	[smem:$0x3FB4] =	sst s8  }
0x11: {  	[smem:$0x3FB5] =	sst s9;
	s0 =	simm.s32 @!p0 $0x0  }
0x12: {  	s1 =	sld [smem:$0x3F9B];
	s0 =	simm.s32 @p0 $0x1  }
0x13: {  	[smem:$0x3FB6] =	sst s0;
	s0 =	simm.s32 @!p1 $0x0  }
0x14: {  	s2 =	sld [smem:$0x3F9A];
	s0 =	simm.s32 @p1 $0x1  }
0x15: {  	[smem:$0x3FB7] =	sst s0;
	s0 =	simm.s32 @!p2 $0x0  }
0x16: {  	s3 =	sld [smem:$0x3FDB];
	s0 =	simm.s32 @p2 $0x1  }
0x17: {  	s4 =	simm.s32 $0x1BF5;
	[smem:$0x3FB9] =	sst s0  }
0x18: {  	s0 =	sld [smem:$0x3F9C];
	_ =	swait.ge [sflag:s4], $0x0  }
0x19: {  	s7 =	sld [smem:$0x3F9D]  }
0x1a: {  	s8 =	sadd.s32 $0xFFFFE003, lr  }
0x1b: {  	s9 =	sadd.s32 $0xFFFFFEF7, lr;
	s5 =	simm.s32 $0xFFFFFFFF;
	p2 =	slt.u32 s8, $0xFFFFF086  }
0x1c: {  	p1 =	slt.u32 s9, $0xF7A;
	s5 =	simm.s32 @!p2 $0x0  }
0x1d: {  	s5 =	simm.s32 @p1 $0x1;
	p0 =	seq.s32 s7, s2  }
0x1e: {  	s7 =	smul.u32 @!p0 $0xF7A, s2;
	p2 =	seq.s32 @!p0 s5, $0x0  }
0x1f: {  	s9 =	smul.u32 $0xF7A, s1;
	s8 =	simm.s32 @!p0 $0x1BF5;
	p2 =	por !p2, p0  }
0x20: {  	[sflag:s8] =	ssyncset.s32 @!p0 $0xFFFFF086;
	s6 =	sadd.s32 @!p0 s3, s7;
	s7 =	simm.s32 @!p0 $0x108  }
0x21: {  	s3 =	sadd.s32 s3, s9;
	s6 =	sadd.s32 @!p0 $0x88, s6;
	s7 =	simm.s32 @p2 $0x1082  }
0x22: {  	[simem:s7], [sflag:s8] =	dma.local @!p0 [hbm:s6], $0xF7A  }
0x23: {  	s9 =	sor.u32 $0xD0000000, s2;
	s6 =	simm.s32 $0x108;
	_ =	swait.ge @!p0 [sflag:s8], $0x0  }
0x24: {  	s3 =	sadd.s32 $0x88, s3;
	s6 =	simm.s32 @!p1 $0x1082;
	[sflag:s4] =	ssyncset.s32 $0xFFFFF086  }
0x25: {  	[simem:s6], [sflag:s4] =	dma.local [hbm:s3], $0xF7A  }
0x26: {  	[smem:$0x3F9D] =	sst s1;
	(tag) =	ssettag s2;
	_ =	strace s9  }
0x27: {  	s1 =	sld [smem:$0x3FAD]  }
0x28: {  	s2 =	sld [smem:$0x3FAE]  }
0x29: {  	s4 =	sld [smem:$0x3FB0]  }
0x2a: {  	p0 =	seq.s32 s5, $0x0;
	s5 =	sld [smem:$0x3FB1]  }
0x2b: {  	s6 =	sld [smem:$0x3FB2]  }
0x2c: {  	s7 =	sld [smem:$0x3FB3]  }
0x2d: {  	s3 =	simm.s32 $0x108;
	s8 =	sld [smem:$0x3FB4]  }
0x2e: {  	s3 =	simm.s32 @!p0 $0x1082;
	s9 =	sld [smem:$0x3FB5]  }
0x2f: {  	lr =	sadd.s32 s0, s3;
	s0 =	sld [smem:$0x3FAC]  }
0x30: {  	s3 =	sld [smem:$0x3FAF]  }
0x31: {  	[smem:$0x3FB8] =	sst s10  }
0x32: {  	s10 =	sld [smem:$0x3FB6];
	_ =	sdelay $0x3  }
0x33: {  	p0 =	seq.s32 s10, $0x1;
	s10 =	sld [smem:$0x3FB8];
	_ =	sdelay $0x3  }
0x34: {  	[smem:$0x3FB8] =	sst s10  }
0x35: {  	s10 =	sld [smem:$0x3FB7];
	_ =	sdelay $0x3  }
0x36: {  	p1 =	seq.s32 s10, $0x1;
	s10 =	sld [smem:$0x3FB8];
	_ =	sdelay $0x3  }
0x37: {  	[smem:$0x3FB8] =	sst s10  }
0x38: {  	s10 =	sld [smem:$0x3FB9]  }
0x39: {  	_ = 	snop;
	(pc) =	sbr.ind lr, $3  }
0x3a: {  	_ = 	snop  }
0x3b: {  	_ = 	snop  }
0x3c: {  	p2 =	seq.s32 s10, $0x1;
	s10 =	sld [smem:$0x3FB8]  }
0x3d: {  	_ =	shalt  }
0x3e: {  	_ =	shalt  }
0x3f: {  	_ =	shalt  }
0x40: {  	_ =	shalt  }
0x41: {  	_ =	shalt  }
0x42: {  	_ =	shalt  }
0x43: {  	_ =	shalt  }
0x44: {  	_ =	shalt  }
0x45: {  	_ =	shalt  }
0x46: {  	_ =	shalt  }
0x47: {  	_ =	shalt  }
0x48: {  	_ =	shalt  }
0x49: {  	_ =	shalt  }
0x4a: {  	_ =	shalt  }
0x4b: {  	_ =	shalt  }
0x4c: {  	_ =	shalt  }
0x4d: {  	_ =	shalt  }
0x4e: {  	_ =	shalt  }
0x4f: {  	_ =	shalt  }
0x50: {  	_ =	shalt  }
0x51: {  	_ =	shalt  }
0x52: {  	_ =	shalt  }
0x53: {  	_ =	shalt  }
0x54: {  	_ =	shalt  }
0x55: {  	_ =	shalt  }
0x56: {  	_ =	shalt  }
0x57: {  	_ =	shalt  }
0x58: {  	_ =	shalt  }
0x59: {  	_ =	shalt  }
0x5a: {  	_ =	shalt  }
0x5b: {  	_ =	shalt  }
0x5c: {  	_ =	shalt  }
0x5d: {  	_ =	shalt  }
0x5e: {  	_ =	shalt  }
0x5f: {  	_ =	shalt  }
0x60: {  	_ =	shalt  }
0x61: {  	_ =	shalt  }
0x62: {  	_ =	shalt  }
0x63: {  	_ =	shalt  }
0x64: {  	_ =	shalt  }
0x65: {  	_ =	shalt  }
0x66: {  	_ =	shalt  }
0x67: {  	_ =	shalt  }
0x68: {  	_ =	shalt  }
0x69: {  	_ =	shalt  }
0x6a: {  	_ =	shalt  }
0x6b: {  	_ =	shalt  }
0x6c: {  	_ =	shalt  }
0x6d: {  	_ =	shalt  }
0x6e: {  	_ =	shalt  }
0x6f: {  	_ =	shalt  }
0x70: {  	_ =	shalt  }
0x71: {  	_ =	shalt  }
0x72: {  	_ =	shalt  }
0x73: {  	_ =	shalt  }
0x74: {  	_ =	shalt  }
0x75: {  	_ =	shalt  }
0x76: {  	_ =	shalt  }
0x77: {  	_ =	shalt  }
0x78: {  	_ =	shalt  }
0x79: {  	_ =	shalt  }
0x7a: {  	_ =	shalt  }
0x7b: {  	_ =	shalt  }
0x7c: {  	_ =	shalt  }
0x7d: {  	_ =	shalt  }
0x7e: {  	_ =	shalt  }
0x7f: {  	_ =	shalt  }
0x80: {  	_ =	shalt  }
0x81: {  	_ =	shalt  }
0x82: {  	_ =	shalt  }
0x83: {  	_ =	shalt  }
0x84: {  	_ =	shalt  }
0x85: {  	_ =	shalt  }
0x86: {  	_ =	shalt  }
0x87: {  	_ =	shalt  }
.Lfunc_end0:
.L_simem_size_0:
called_computation.1_lowered:
.L_overlay_start_0:
0x88: {  	s2 =	sld [smem:$0x3FD9]  }
0x89: {  	s3 =	sld [smem:$0x3FFE];
	_ =	sdelay $0x1  }
0x8a: {  	s1 =	srdreg.scid  }
0x8b: {  	s0 =	sand.u32 $0x1, s1  }
0x8c: {  	s17 =	sshll.u32 s0, $0xA;
	s2 =	sadd.s32 s3, s2  }
0x8d: {  	s2 =	sadd.s32 s2, s17  }
0x8e: {  	[smem:$0x3FC4] =	sst s2  }
0x8f: {  	_ = 	snop  }
0x90: {  	s2 =	sld [smem:$0x3FD0];
	(tm) =	ssettm $0x1  }
0x91: {  	s18 =	sld [smem:$0x3FFB];
	_ =	sdelay $0x3  }
0x92: {  	_ =	strace s18  }
0x93: {  	s3 =	sld [smem:$0x3FFC];
	_ =	sdelay $0x3  }
0x94: {  	_ =	strace s3  }
0x95: {  	s3 =	sld [smem:$0x3FFD];
	_ =	sdelay $0x3  }
0x96: {  	_ =	strace s3  }
0x97: {  	_ =	strace $0x8FFFFFFF  }
0x98: {  	s19 =	sld [smem:$0x3FDB];
	_ =	sdelay $0x1  }
0x99: {  	s4 =	simm.s32 $_scs_section_size  }
0x9a: {  	s5 =	simm.s32 $_size__tile_overlayer_lowered;
	s6 =	simm.s32 $_tile_overlayer_lowered  }
0x9b: {  	s22 =	simm.s32 $0x1BFF;
	s21 =	sshll.u32 s6, $0x1;
	s3 =	sadd.s32 s4, s19  }
0x9c: {  	s7 =	simm.s32 $0x0;
	s20 =	sshll.u32 s5, $0x1;
	s5 =	sadd.s32 s21, s3  }
0x9d: {  	[timem:s7], [sflag:s22] =	dma.local [hbm:s5], s20  }
0x9e: {  	_ =	swait.ge [sflag:s22], s20  }
0x9f: {  	s4 =	ssub.s32 $0x0, s20;
	[sflag:s22] =	ssyncset.done $0x0  }
0xa0: {  	[sflag:s22] =	ssyncadd.s32 s4;
	_ =	sdelay $0x1  }
0xa1: {  	s23 =	simm.s32 $0x1B8B  }
0xa2: {  	_ =	swait.ge [sflag:s23], $0x1  }
0xa3: {  	[sflag:s23] =	ssyncset.done $0x0  }
0xa4: {  	s25 =	simm.s32 $0x1B8E;
	s24 =	sld [smem:$0x3FFE];
	[sflag:s23] =	ssyncadd.s32 $0xFFFFFFFF  }
0xa5: {  	s26 =	simm.s32 $execute0_lowered;
	[smem:$0x3FD2] =	sst s25  }
0xa6: {  	s5 =	sshll.u32 s26, $0x1;
	_ =	strace $0x80000046;
	[dreg:$0x1] =	wrdreg $0xFFFFFFFF  }
0xa7: {  	s28 =	simm.s32 $_size_execute0_lowered;
	s3 =	sadd.s32 s3, s5;
	[dreg:$0x0] =	wrdreg $0x0  }
0xa8: {  	s5 =	sshll.u32 s28, $0x1;
	[dreg:$0x2] =	wrdreg s3  }
0xa9: {  	[dreg:$0x3] =	wrdreg s5  }
0xaa: {  	[dreg:$0x4] =	wrdreg $0xC0  }
0xab: {  	_ =	task [dreg:s7], $0x5FFFF  }
0xac: {  	[dreg:$0x1] =	wrdreg $0xFFFFFFFF  }
0xad: {  	[dreg:$0x0] =	wrdreg $0x60  }
0xae: {  	[dreg:$0x2] =	wrdreg s2  }
0xaf: {  	[dreg:$0x3] =	wrdreg s24  }
0xb0: {  	[dreg:$0x4] =	wrdreg $0xC9000  }
0xb1: {  	[dreg:$0x5] =	wrdreg $0xA  }
0xb2: {  	_ =	task.clear_ibuf [dreg:s7], $0x6FFFF;
	_ =	strace $0x90000046  }
0xb3: {  	s29 =	simm.s32 $0xA;
	_ =	strace $0x80000048  }
0xb4: {  	_ =	swait.ge [sflag:s29], $0x1  }
0xb5: {  	[sflag:s29] =	ssyncadd.s32 $0xFFFFFFFF  }
0xb6: {  	_ =	strace $0x90000048  }
0xb7: {  	_ =	sfence  }
0xb8: {  	s30 =	sld [smem:$0x0];
	_ =	sdelay $0x2  }
0xb9: {  	s31 =	sshll.u32 s1, $0xD;
	s1 =	sshrl.u32 s1, $0x2  }
0xba: {  	s3 =	sand.u32 $0x4000, s31;
	s1 =	sadd.s32 s1, s30  }
0xbb: {  	s0 =	sor.u32 s3, s0;
	s1 =	sshll.u32 s1, $0x11  }
0xbc: {  	s0 =	sor.u32 s1, s0  }
0xbd: {  	s0 =	sadd.s32 $0x8F2B, s0  }
0xbe: {  	[sflag:s0] =	ssyncadd.remote.s32 $0x1  }
0xbf: {  	_ =	sfence.sel $0xFFFF  }
0xc0: {  	[dreg:$0x0] =	wrdreg $0xFFFFFFFF;
	(pc) =	sbr.abs _section_cstart, $3  }
0xc1: {  	[dreg:$0x1] =	wrdreg $0xFFFFFFFF  }
0xc2: {  	_ =	task.clear_ibuf [dreg:s7], $0x2FFFF;
	_ =	strace $0x9FFFFFFF  }
0xc3: {  	(tm) =	ssettm $0x7FFFFFFF  }
tec
execute0_lowered:
.L_overlay_start_1:
0x0: {  	(tag) =	ssettag $0x1  }
0x1: {  	s1 =	rddreg [dreg:$0x0]  }
0x2: {  	s5 =	rddreg [dreg:$0x1]  }
0x3: {  	s0 =	srdreg.scid;
	s3 =	rddreg [dreg:$0x2]  }
0x4: {  	s4 =	simm.s32 $0x0;
	s7 =	sand.u32 $0x1, s0;
	s0 =	stileid.u32  }
0x5: {  	s17 =	simm.s32 $0x0;
	[smem:$0x7FF] =	sst s4;
	s13 =	smul.u32 $0x4E0, s7  }
0x6: {  	s2 =	sshll.u32 s7, $0x4;
	s8 =	ssub.s32 $0x2, s7;
	s14 =	smul.u32 $0x4E, s0  }
0x7: {  	s9 =	sshll.u32 s0, $0x5;
	s23 =	sshll.u32 s0, $0xF;
	s15 =	smul.u32 $0x4E00, s7  }
0x8: {  	s26 =	sshll.u32 s7, $0x9;
	s29 =	smul.u32 $0x4E0, s0;
	s16 =	sor.u32 s0, s2  }
0x9: {  	s2 =	rddreg [dreg:$0x3];
	_ =	strace $0x80000047;
	s11 =	sshrl.u32 s8, $0x1  }
0xa: {  	s9 =	sadd.s32 s9, s5;
	s5 =	sadd.s32 s23, s3;
	s6 =	smul.u32 $0x4E, s16  }
0xb: {  	s10 =	smin.u32 s16, $0x4;
	s11 =	ssub.s32 s8, s11;
	s28 =	sadd.s32 s26, s9  }
0xc: {  	p0 =	sgt.u32 s16, $0x3;
	s16 =	simm.s32 $0xC800;
	s8 =	sadd.s32 $0xE00, s28  }
0xd: {  	v0 =	vimm.f32 $0.0e+00;
	v1 =	vimm.f32 $1.000000000e+00;
	s9 =	smax.u32 s11, $0x1;
	s30 =	sor.u32 s13, s10;
	s31 =	sshll.u32 s10, $0x4  }
0xe: {  	vm0 =	vmmov $0x1;
	vm1 =	vmmov $0x3;
	vm2 =	vmmov $0x7;
	s13 =	simm.s32 $0x1;
	s6 =	sadd.s32 s10, s6;
	s11 =	sadd.s32 s14, s30  }
0xf: {  	vm3 =	vmmov $0xf;
	vm4 =	vmmov $0x1f;
	vm5 =	vmmov $0x3f;
	s14 =	simm.s32 $0x80;
	s12 =	sadd.s32 $0x4E, s6;
	s10 =	sshll.u32 s11, $0x9  }
0x10: {  	vm6 =	vmmov $0x7f;
	vm7 =	vmmov $0xff;
	vm8 =	vmmov $0x1ff;
	s22 =	sshll.u32 s12, $0x4;
	s25 =	sshll.u32 s12, $0x7;
	s12 =	sadd.s32 s29, s15  }
0x11: {  	vm9 =	vmmov $0x3ff;
	vm10 =	vmmov $0x7ff;
	vm11 =	vmmov $0xfff;
	s15 =	simm.s32 $0x800;
	s24 =	sand.u32 $0x1FFFFF80, s22;
	s7 =	sand.u32 $0x380, s25  }
0x12: {  	vm12 =	vmmov $0x1fff;
	vm13 =	vmmov $0x3fff;
	vm14 =	vmmov $0x7fff;
	s11 =	sadd.s32 s31, s12;
	s12 =	simm.s32 $0x4800;
	s6 =	sadd.s32 s1, s24  }
.LBB2_1:
0x13: {  	s18 =	simm.s32 $0x0;
	s19 =	simm.s32 $0x200  }
.LBB2_2:
0x14: {  	p1 =	sne.s32 s19, $0x1FE00;
	[tilespmem:s18+$0x4870] =	vst v0  }
0x15: {  	[tilespmem:s18+$0x4800] =	vst v0  }
0x16: {  	[tilespmem:s18+$0x4810] =	vst v0  }
.Ltmp0:
0x17: {  	[tilespmem:s18+$0x4820] =	vst v0;
	(pc) =	sbr.rel @p1 .LBB2_2-.Ltmp0, $4  }
0x18: {  	[tilespmem:s18+$0x4830] =	vst v0  }
0x19: {  	[tilespmem:s18+$0x4840] =	vst v0  }
0x1a: {  	[tilespmem:s18+$0x4850] =	vst v0  }
0x1b: {  	[tilespmem:s18+$0x4860] =	vst v0;
	s18 =	sshra.s32 s19, $0x2;
	s19 =	sadd.s32 $0x200, s19  }
0x1c: {  	[tilespmem:s18+$0x4870] =	vst v0  }
0x1d: {  	[tilespmem:s18+$0x4800] =	vst v0  }
0x1e: {  	[tilespmem:s18+$0x4810] =	vst v0  }
0x1f: {  	[tilespmem:s18+$0x4820] =	vst v0  }
0x20: {  	[tilespmem:s18+$0x4830] =	vst v0  }
0x21: {  	[tilespmem:s18+$0x4840] =	vst v0  }
0x22: {  	[tilespmem:s18+$0x4850] =	vst v0  }
0x23: {  	[tilespmem:s18+$0x4860] =	vst v0;
	s18 =	simm.s32 $0x0;
	s19 =	simm.s32 $0x200  }
.LBB2_4:
0x24: {  	p1 =	sne.s32 s19, $0xFE00;
	[tilespmem:s18+$0x870] =	vst v1  }
0x25: {  	[tilespmem:s18+$0x800] =	vst v1  }
0x26: {  	[tilespmem:s18+$0x810] =	vst v1  }
.Ltmp1:
0x27: {  	[tilespmem:s18+$0x820] =	vst v1;
	(pc) =	sbr.rel @p1 .LBB2_4-.Ltmp1, $4  }
0x28: {  	[tilespmem:s18+$0x830] =	vst v1  }
0x29: {  	[tilespmem:s18+$0x840] =	vst v1  }
0x2a: {  	[tilespmem:s18+$0x850] =	vst v1  }
0x2b: {  	[tilespmem:s18+$0x860] =	vst v1;
	s18 =	sshra.s32 s19, $0x2;
	s19 =	sadd.s32 $0x200, s19  }
0x2c: {  	[tilespmem:s18+$0x870] =	vst v1  }
0x2d: {  	[tilespmem:s18+$0x800] =	vst v1  }
0x2e: {  	[tilespmem:s18+$0x810] =	vst v1  }
0x2f: {  	[tilespmem:s18+$0x820] =	vst v1  }
0x30: {  	[tilespmem:s18+$0x830] =	vst v1  }
0x31: {  	[tilespmem:s18+$0x840] =	vst v1  }
0x32: {  	[tilespmem:s18+$0x850] =	vst v1  }
0x33: {  	[tilespmem:s18+$0x860] =	vst v1  }
0x34: {  	[spmem:s5] =	stream.linear.scatter [tilespmem:s12], [sflag:$0x1], $0x8000, $0x38;
	[tilespmem:$0x14900] =	vst v63  }
0x35: {  	_ =	swait.ge [sflag:s13], $0x8000  }
0x36: {  	s29 =	sadd.s32 $0x0, s11;
	[sflag:s13] =	ssyncset.done $0x0  }
0x37: {  	s18 =	sand.u32 $0x1FFFFF80, s29;
	[sflag:s13] =	ssyncadd.s32 $0xFFFF8000  }
0x38: {  	s18 =	sadd.s32 s1, s18;
	[bflag:$0x0] =	sbarrier.arrive $0xFFFF  }
0x39: {  	[tilespmem:s4], [sflag:$0x1] =	stream.linear.gather [hbm4b:s18+s4], $0x800, $0x38;
	[tilespmem:$0x14900] =	vst v63  }
0x3a: {  	_ =	swait.ge [sflag:s13], $0x800  }
0x3b: {  	s30 =	sshrl.u32 s10, $0x2;
	[sflag:s13] =	ssyncset.done $0x0  }
0x3c: {  	s18 =	sand.u32 $0x380, s30;
	[sflag:s13] =	ssyncadd.s32 $0xFFFFF800  }
0x3d: {  	[spmem:s3] =	stream.indirect.scatter.add.f32 [tilespmem:s15], [sflag:$0x1], $0x80, s18, s14, $0xb8;
	[tilespmem:$0x14900] =	vst v63  }
0x3e: {  	_ =	swait.ge [sflag:s13], $0x4000  }
0x3f: {  	[sflag:s13] =	ssyncset.done $0x0  }
0x40: {  	s19 =	sadd.s32 $0x80, s18;
	[sflag:s13] =	ssyncadd.s32 $0xFFFFC000  }
0x41: {  	[spmem:s3] =	stream.indirect.scatter.add.f32 [tilespmem:s15], [sflag:$0x1], $0x80, s19, s14, $0xb8;
	[tilespmem:$0x14900] =	vst v63  }
0x42: {  	_ =	swait.ge [sflag:s13], $0x4000  }
0x43: {  	[sflag:s13] =	ssyncset.done $0x0  }
0x44: {  	s31 =	sadd.s32 $0x30, s11;
	s18 =	sadd.s32 $0x100, s18;
	[sflag:s13] =	ssyncadd.s32 $0xFFFFC000  }
0x45: {  	[spmem:s3] =	stream.indirect.scatter.add.f32 [tilespmem:s15], [sflag:$0x1], $0x80, s18, s14, $0xb8;
	[tilespmem:$0x14900] =	vst v63  }
0x46: {  	s20 =	sand.u32 $0x1FFFFF80, s31;
	_ =	swait.ge [sflag:s13], $0x4000  }
0x47: {  	s19 =	simm.s32 $0x60;
	s18 =	sadd.s32 $0x600, s10;
	[sflag:s13] =	ssyncset.done $0x0  }
.LBB2_6:
0x48: {  	s20 =	sadd.s32 s1, s20  }
0x49: {  	[sflag:s13] =	ssyncadd.s32 $0xFFFFC000;
	s21 =	smov.u32 s19;
	s22 =	sadd.s32 $0x30, s19  }
0x4a: {  	[tilespmem:s4], [sflag:$0x1] =	stream.linear.gather [hbm4b:s20+s4], $0x800, $0x38;
	[tilespmem:$0x14900] =	vst v63  }
0x4b: {  	p1 =	seq.s32 s19, $0x4B0;
	_ =	swait.ge [sflag:s13], $0x800  }
0x4c: {  	s19 =	sshrl.u32 s18, $0x2;
	[sflag:s13] =	ssyncset.done $0x0  }
0x4d: {  	s19 =	sand.u32 $0x380, s19;
	[sflag:s13] =	ssyncadd.s32 $0xFFFFF800  }
0x4e: {  	[spmem:s3] =	stream.indirect.scatter.add.f32 [tilespmem:s15], [sflag:$0x1], $0x80, s19, s14, $0xb8;
	[tilespmem:$0x14900] =	vst v63  }
0x4f: {  	_ =	swait.ge [sflag:s13], $0x4000  }
0x50: {  	[sflag:s13] =	ssyncset.done $0x0  }
0x51: {  	s20 =	sadd.s32 $0x80, s19;
	[sflag:s13] =	ssyncadd.s32 $0xFFFFC000  }
0x52: {  	[spmem:s3] =	stream.indirect.scatter.add.f32 [tilespmem:s15], [sflag:$0x1], $0x80, s20, s14, $0xb8;
	[tilespmem:$0x14900] =	vst v63  }
0x53: {  	_ =	swait.ge [sflag:s13], $0x4000  }
.Ltmp2:
0x54: {  	[sflag:s13] =	ssyncset.done $0x0;
	(pc) =	sbr.rel @!p1 .LBB2_6-.Ltmp2, $4  }
0x55: {  	s19 =	sadd.s32 $0x100, s19;
	[sflag:s13] =	ssyncadd.s32 $0xFFFFC000  }
0x56: {  	[spmem:s3] =	stream.indirect.scatter.add.f32 [tilespmem:s15], [sflag:$0x1], $0x80, s19, s14, $0xb8;
	[tilespmem:$0x14900] =	vst v63  }
0x57: {  	s18 =	sadd.s32 $0x600, s18;
	s19 =	sadd.s32 s21, s11;
	_ =	swait.ge [sflag:s13], $0x4000  }
0x58: {  	s20 =	sand.u32 $0x1FFFFF80, s19;
	s19 =	smov.u32 s22;
	[sflag:s13] =	ssyncset.done $0x0  }
0x59: {  	s19 =	sadd.s32 s1, s20;
	[sflag:s13] =	ssyncadd.s32 $0xFFFFC000  }
0x5a: {  	[tilespmem:s4], [sflag:$0x1] =	stream.linear.gather [hbm4b:s19+s4], $0x800, $0x38;
	[tilespmem:$0x14900] =	vst v63  }
0x5b: {  	_ =	swait.ge [sflag:s13], $0x800  }
0x5c: {  	s18 =	sshrl.u32 s18, $0x2;
	[sflag:s13] =	ssyncset.done $0x0  }
0x5d: {  	s18 =	sand.u32 $0x380, s18;
	[sflag:s13] =	ssyncadd.s32 $0xFFFFF800  }
0x5e: {  	[spmem:s3] =	stream.indirect.scatter.add.f32 [tilespmem:s15], [sflag:$0x1], $0x80, s18, s14, $0xb8;
	[tilespmem:$0x14900] =	vst v63  }
0x5f: {  	_ =	swait.ge [sflag:s13], $0x4000  }
0x60: {  	[sflag:s13] =	ssyncset.done $0x0  }
0x61: {  	s31 =	sadd.s32 $0x80, s18;
	[sflag:s13] =	ssyncadd.s32 $0xFFFFC000  }
0x62: {  	[spmem:s3] =	stream.indirect.scatter.add.f32 [tilespmem:s15], [sflag:$0x1], $0x80, s31, s14, $0xb8;
	[tilespmem:$0x14900] =	vst v63  }
0x63: {  	_ =	swait.ge [sflag:s13], $0x4000  }
0x64: {  	[sflag:s13] =	ssyncset.done $0x0  }
0x65: {  	s18 =	sadd.s32 $0x100, s18;
	[sflag:s13] =	ssyncadd.s32 $0xFFFFC000  }
0x66: {  	[spmem:s3] =	stream.indirect.scatter.add.f32 [tilespmem:s15], [sflag:$0x1], $0x80, s18, s14, $0xb8;
	[tilespmem:$0x14900] =	vst v63  }
0x67: {  	_ =	swait.ge [sflag:s13], $0x4000  }
0x68: {  	[sflag:s13] =	ssyncset.done $0x0  }
0x69: {  	s18 =	simm.s32 @!p0 $0x0;
	[sflag:s13] =	ssyncadd.s32 $0xFFFFC000  }
0x6a: {  	[tilespmem:s18], [sflag:$0x1] =	stream.linear.gather @!p0 [hbm4b:s6+s18], $0x800, $0x38;
	[tilespmem:$0x14900] =	vst v63  }
0x6b: {  	s18 =	simm.s32 @!p0 $0x1  }
0x6c: {  	_ =	swait.ge @!p0 [sflag:s18], $0x800  }
0x6d: {  	[sflag:s18] =	ssyncset.done @!p0 $0x0  }
0x6e: {  	s20 =	simm.s32 @!p0 $0x800;
	s19 =	simm.s32 @!p0 $0x80;
	[sflag:s18] =	ssyncadd.s32 @!p0 $0xFFFFF800  }
0x6f: {  	[spmem:s3] =	stream.indirect.scatter.add.f32 @!p0 [tilespmem:s20], [sflag:$0x1], $0x80, s7, s19, $0xb8;
	[tilespmem:$0x14900] =	vst v63  }
0x70: {  	_ =	swait.ge @!p0 [sflag:s18], $0x4000  }
0x71: {  	[sflag:s18] =	ssyncset.done @!p0 $0x0  }
0x72: {  	[sflag:s18] =	ssyncadd.s32 @!p0 $0xFFFFC000  }
0x73: {  	[bflag:$0x0] =	sbarrier.arrive $0xFFFF  }
0x74: {  	[tilespmem:s12], [sflag:$0x1] =	stream.linear.gather [spmem:s5], $0x8000, $0x38;
	[tilespmem:$0x14900] =	vst v63  }
0x75: {  	_ =	swait.ge [sflag:s13], $0x8000  }
0x76: {  	[sflag:s13] =	ssyncset.done $0x0  }
0x77: {  	s19 =	simm.s32 $0x4C00;
	[sflag:s13] =	ssyncadd.s32 $0xFFFF8000  }
0x78: {  	v2 =	vld [tilespmem:s19+$0xFFFFFC80]  }
0x79: {  	s20 =	simm.s32 $0x40;
	s18 =	simm.s32 $0x0;
	v3 =	vld [tilespmem:s19+$0xFFFFFC00]  }
.LBB2_8:
0x7a: {  	p1 =	sne.s32 s20, $0x3C0;
	v4 =	vld [tilespmem:s19+$0xFFFFFD00]  }
0x7b: {  	v5 =	vld [tilespmem:s19+$0xFFFFFD80]  }
0x7c: {  	v6 =	vld [tilespmem:s19+$0xFFFFFE00]  }
0x7d: {  	v7 =	vld [tilespmem:s19+$0xFFFFFE80]  }
0x7e: {  	v2 =	vsel vm0, v3, v2;
	v3 =	vld [tilespmem:s19+$0xFFFFFF00]  }
0x7f: {  	v2 =	vsel vm1, v2, v4;
	v4 =	vld [tilespmem:s19+$0xFFFFFF80]  }
0x80: {  	v2 =	vsel vm2, v2, v5;
	v5 =	vld [tilespmem:s19+$0x0]  }
0x81: {  	v2 =	vsel vm3, v2, v6;
	v6 =	vld [tilespmem:s19+$0x80]  }
0x82: {  	v2 =	vsel vm4, v2, v7;
	v7 =	vld [tilespmem:s19+$0x100]  }
0x83: {  	v2 =	vsel vm5, v2, v3;
	v3 =	vld [tilespmem:s19+$0x180]  }
0x84: {  	v2 =	vsel vm6, v2, v4;
	v4 =	vld [tilespmem:s19+$0x200]  }
0x85: {  	v2 =	vsel vm7, v2, v5;
	v5 =	vld [tilespmem:s19+$0x280]  }
0x86: {  	v2 =	vsel vm8, v2, v6;
	v6 =	vld [tilespmem:s19+$0x300]  }
0x87: {  	v2 =	vsel vm9, v2, v7;
	v7 =	vld [tilespmem:s19+$0x380]  }
0x88: {  	v2 =	vsel vm10, v2, v3  }
0x89: {  	v2 =	vsel vm11, v2, v4  }
0x8a: {  	v2 =	vsel vm12, v2, v5  }
.Ltmp3:
0x8b: {  	v2 =	vsel vm13, v2, v6;
	(pc) =	sbr.rel @p1 .LBB2_8-.Ltmp3, $4  }
0x8c: {  	s21 =	sshra.s32 s18, $0x2;
	s18 =	smov.u32 s20;
	v2 =	vsel vm14, v2, v7  }
0x8d: {  	s19 =	sadd.s32 $0x800, s19;
	[tilespmem:s21+$0xC800] =	vst v2  }
0x8e: {  	v2 =	vld [tilespmem:s19+$0xFFFFFC80]  }
0x8f: {  	s20 =	sadd.s32 $0x40, s20;
	v3 =	vld [tilespmem:s19+$0xFFFFFC00]  }
0x90: {  	v4 =	vld [tilespmem:s19+$0xFFFFFD00]  }
0x91: {  	v5 =	vld [tilespmem:s19+$0xFFFFFD80]  }
0x92: {  	v6 =	vld [tilespmem:s19+$0xFFFFFE00]  }
0x93: {  	v7 =	vld [tilespmem:s19+$0xFFFFFE80]  }
0x94: {  	v2 =	vsel vm0, v3, v2;
	v3 =	vld [tilespmem:s19+$0xFFFFFF00]  }
0x95: {  	v56 =	vld [tilespmem:s19+$0xFFFFFF80];
	v2 =	vsel vm1, v2, v4  }
0x96: {  	v57 =	vld [tilespmem:s19+$0x0];
	v2 =	vsel vm2, v2, v5  }
0x97: {  	v58 =	vld [tilespmem:s19+$0x80];
	v2 =	vsel vm3, v2, v6  }
0x98: {  	v59 =	vld [tilespmem:s19+$0x100];
	v2 =	vsel vm4, v2, v7  }
0x99: {  	v2 =	vsel vm5, v2, v3;
	v3 =	vld [tilespmem:s19+$0x180]  }
0x9a: {  	v60 =	vld [tilespmem:s19+$0x200];
	v2 =	vsel vm6, v2, v56  }
0x9b: {  	v61 =	vld [tilespmem:s19+$0x280];
	v2 =	vsel vm7, v2, v57  }
0x9c: {  	v62 =	vld [tilespmem:s19+$0x300];
	v2 =	vsel vm8, v2, v58  }
0x9d: {  	v63 =	vld [tilespmem:s19+$0x380];
	v2 =	vsel vm9, v2, v59  }
0x9e: {  	v2 =	vsel vm10, v2, v3  }
0x9f: {  	v2 =	vsel vm11, v2, v60  }
0xa0: {  	v2 =	vsel vm12, v2, v61  }
0xa1: {  	s17 =	sadd.s32 $0x1, s17;
	v2 =	vsel vm13, v2, v62  }
0xa2: {  	s18 =	sshra.s32 s18, $0x2;
	p1 =	sne.s32 s17, s9;
	v2 =	vsel vm14, v2, v63  }
.Ltmp4:
0xa3: {  	[tilespmem:s18+$0xC800] =	vst v2;
	(pc) =	sbr.rel @p1 .LBB2_1-.Ltmp4, $4  }
0xa4: {  	[hbm4b:s8+s4] =	stream.linear.scatter [tilespmem:s16], [sflag:$0x1], $0x100, $0x38;
	[tilespmem:$0x14900] =	vst v63  }
0xa5: {  	_ =	swait.ge [sflag:s13], $0x100  }
0xa6: {  	[sflag:s13] =	ssyncset.done $0x0  }
0xa7: {  	[sflag:s13] =	ssyncadd.s32 $0xFFFFFF00  }
0xa8: {  	_ =	sfence.sel $0x180000  }
0xa9: {  	[bflag:$0x0] =	sbarrier.arrive $0xFFFF  }
0xaa: {  	p0 =	sne.s32 s0, $0x0;
	_ =	strace $0x90000047  }
0xab: {  	s0 =	sadd.s32 @!p0 $0x100000, s2;
	[bflag:$0x2] =	sbarrier.arrive $0xFFFF  }
0xac: {  	[sflag:s0] =	ssyncadd.tile.s32 @!p0 $0x1;
	_ =	shalt  }
.Lfunc_end2:
_tile_overlayer_lowered:
.L_overlay_start_2:
0xad: {  	(tag) =	ssettag $0x2  }
0xae: {  	s0 =	rddreg [dreg:$0x0];
	s2 =	stileid.u32  }
0xaf: {  	s1 =	rddreg [dreg:$0x1];
	p0 =	sne.s32 s2, $0x0  }
0xb0: {  	s3 =	rddreg [dreg:$0x2];
	[bflag:$0x3] =	sbarrier.arrive $0xFFFF;
	s2 =	simm.s32 @!p0 $0x1C01  }
0xb1: {  	[timem:s3], [sflag:s2] =	dma.local @!p0 [hbm:s0], s1  }
0xb2: {  	s0 =	simm.s32 @!p0 $0x1  }
0xb3: {  	_ =	swait.ge @!p0 [sflag:s0], s1  }
0xb4: {  	s1 =	ssub.s32 @!p0 $0x0, s1;
	[sflag:s0] =	ssyncset.done @!p0 $0x0  }
0xb5: {  	[sflag:s0] =	ssyncadd.s32 @!p0 s1  }
0xb6: {  	[bflag:$0x3] =	sbarrier.arrive $0xFFFF  }
0xb7: {  	_ =	shalt  }

</sc_bundles>
